<compile_context>
chip_gen: v7x
topology: tpu7x:2x2x1
jax: 0.10.2.dev20260603
libtpu: 0.0.44.dev20260713+nightly
codegen_flags: <defaults>
</compile_context>

<pallas_src>
import functools

import jax
import jax.numpy as jnp
from jax import lax
from jax.experimental import pallas as pl
from jax.experimental.pallas import tpu as pltpu
from jax.experimental.pallas import tpu_sc as plsc

EMBED_DIM = 32
BATCH = 16384
TILE = 128

NUM_CORES = 2
NUM_SUBCORES = 16
NUM_WORKERS = NUM_CORES * NUM_SUBCORES
B_PER_W = BATCH // NUM_WORKERS
LANES = 16
HALF = LANES
GROUPS = B_PER_W // LANES
SROW = LANES + 1
DEPTH = 4


def _body(user_hbm, item_hbm, u_hbm, i_hbm, out_hbm,
          u_vm, i_vm, ub0, ub1, ub2, ub3, ib0, ib1, ib2, ib3, psum, out_v,
          su0, su1, su2, su3, si0, si1, si2, si3):
  wid = lax.axis_index("s") * NUM_CORES + lax.axis_index("c")
  base = wid * B_PER_W

  pltpu.sync_copy(u_hbm.at[pl.ds(base, B_PER_W)], u_vm)
  pltpu.sync_copy(i_hbm.at[pl.ds(base, B_PER_W)], i_vm)

  iota = lax.iota(jnp.int32, LANES)
  ubufs = (ub0, ub1, ub2, ub3)
  ibufs = (ib0, ib1, ib2, ib3)
  usems = (su0, su1, su2, su3)
  isems = (si0, si1, si2, si3)

  def fire(j, k, slot):
    cj = pl.multiple_of((j >> 7) * TILE, TILE)
    pltpu.async_copy(
        user_hbm.at[:, pl.ds(cj, TILE)], ubufs[slot], usems[slot])
    ck = pl.multiple_of((k >> 7) * TILE, TILE)
    pltpu.async_copy(
        item_hbm.at[:, pl.ds(ck, TILE)], ibufs[slot], isems[slot])

  def consume(j, k, s, slot):
    pltpu.make_async_copy(
        user_hbm.at[:, pl.ds(0, TILE)], ubufs[slot], usems[slot]).wait()
    pltpu.make_async_copy(
        item_hbm.at[:, pl.ds(0, TILE)], ibufs[slot], isems[slot]).wait()
    lu_v = jnp.full((LANES,), j & (TILE - 1), jnp.int32)
    li_v = jnp.full((LANES,), k & (TILE - 1), jnp.int32)
    u0 = plsc.load_gather(ubufs[slot], [iota, lu_v])
    u1 = plsc.load_gather(ubufs[slot], [iota + HALF, lu_v])
    v0 = plsc.load_gather(ibufs[slot], [iota, li_v])
    v1 = plsc.load_gather(ibufs[slot], [iota + HALF, li_v])
    psum[s, pl.ds(0, LANES)] = u0 * v0 + u1 * v1

  u16p = u_vm[pl.ds(0, LANES)]
  i16p = i_vm[pl.ds(0, LANES)]
  for s in range(DEPTH - 1):
    fire(u16p[s], i16p[s], s % DEPTH)

  @pl.loop(0, GROUPS)
  def _group(g):
    u16 = u_vm[pl.ds(g * LANES, LANES)]
    i16 = i_vm[pl.ds(g * LANES, LANES)]
    js = [u16[s] for s in range(LANES)]
    ks = [i16[s] for s in range(LANES)]
    for s in range(LANES):
      if s + DEPTH - 1 < LANES:
        fire(js[s + DEPTH - 1], ks[s + DEPTH - 1], (s + DEPTH - 1) % DEPTH)
      else:
        lane = s + DEPTH - 1 - LANES

        @pl.when(g < GROUPS - 1)
        def _():
          u16n = u_vm[pl.ds((g + 1) * LANES, LANES)]
          i16n = i_vm[pl.ds((g + 1) * LANES, LANES)]
          fire(u16n[lane], i16n[lane], (s + DEPTH - 1) % DEPTH)

      consume(js[s], ks[s], s, s % DEPTH)
    acc = plsc.load_gather(psum, [iota, jnp.zeros((LANES,), jnp.int32)])
    for col in range(1, LANES):
      acc = acc + plsc.load_gather(
          psum, [iota, jnp.full((LANES,), col, jnp.int32)])
    out_v[pl.ds(g * LANES, LANES)] = acc

  pltpu.sync_copy(out_v, out_hbm.at[pl.ds(base, B_PER_W)])


@functools.partial(
    pl.kernel,
    out_type=jax.ShapeDtypeStruct((BATCH,), jnp.float32),
    mesh=plsc.VectorSubcoreMesh(
        core_axis_name="c", subcore_axis_name="s",
        num_cores=NUM_CORES, num_subcores=NUM_SUBCORES),
    compiler_params=pltpu.CompilerParams(
        needs_layout_passes=False, use_tc_tiling_on_sc=True),
    scratch_types=[
        pltpu.VMEM((B_PER_W,), jnp.int32),
        pltpu.VMEM((B_PER_W,), jnp.int32),
    ] + [pltpu.VMEM((EMBED_DIM, TILE), jnp.float32)] * 8 + [
        pltpu.VMEM((LANES, SROW), jnp.float32),
        pltpu.VMEM((B_PER_W,), jnp.float32),
    ] + [pltpu.SemaphoreType.DMA] * 8,
)
def _sc_dot(user_hbm, item_hbm, u_hbm, i_hbm, out_hbm,
            u_vm, i_vm, ub0, ub1, ub2, ub3, ib0, ib1, ib2, ib3, psum, out_v,
            su0, su1, su2, su3, si0, si1, si2, si3):
  _body(user_hbm, item_hbm, u_hbm, i_hbm, out_hbm,
        u_vm, i_vm, ub0, ub1, ub2, ub3, ib0, ib1, ib2, ib3, psum, out_v,
        su0, su1, su2, su3, si0, si1, si2, si3)


def kernel(u, i, user_table, item_table):
  return _sc_dot(user_table.T, item_table.T,
                 u.astype(jnp.int32), i.astype(jnp.int32))

# --- scband reference (transcript-rebuilt; emitter-appended) ---
"""Pipeline reference for scband-matrix-factorization-36429912604976 (READ-ONLY COPY).

The authoritative reference and input builder live on the scoring server;
editing this copy changes nothing except your own understanding.
"""

import jax, jax.numpy as jnp
import numpy as np

N_USERS = 1000000
N_ITEMS = 1000000
EMBED_DIM = 32
BATCH = 16384

def _xavier_normal(key, shape):
    fan_in, fan_out = shape[1], shape[0]
    std = float(np.sqrt(2.0 / (fan_in + fan_out)))
    return jax.random.normal(key, shape, dtype=jnp.float32) * std

def setup_inputs(seed: int = 0) -> dict:
    key = jax.random.key(seed)
    k_u, k_i, k_uw, k_iw = jax.random.split(key, 4)
    u = jax.random.randint(k_u, (BATCH,), 0, N_USERS, dtype=jnp.int64)
    i = jax.random.randint(k_i, (BATCH,), 0, N_ITEMS, dtype=jnp.int64)
    user_table = _xavier_normal(k_uw, (N_USERS + 1, EMBED_DIM))
    item_table = _xavier_normal(k_iw, (N_ITEMS + 1, EMBED_DIM))
    return {"u": u, "i": i, "user_table": user_table, "item_table": item_table}

def reference(u, i, user_table, item_table):
    user_vector = jnp.take(user_table, u, axis=0)
    item_vector = jnp.take(item_table, i, axis=0)
    return jnp.sum(user_vector * item_vector, axis=1)

if __name__ == "__main__":
    import jax
    _d = setup_inputs()
    print(jax.jit(kernel)(*tuple(_d.values())))

</pallas_src>

<mosaic_0001>
#map = affine_map<(d0, d1) -> (0, 0)>
#map1 = affine_map<(d0, d1) -> (0)>
module attributes {stable_mosaic.version = 14 : i64} {
  func.func @_sc_dot(%arg0: i32, %arg1: i32, %arg2: memref<32x1000001xf32, #tpu.memory_space<hbm>>, %arg3: memref<32x1000001xf32, #tpu.memory_space<hbm>>, %arg4: memref<16384xi32, #tpu.memory_space<hbm>>, %arg5: memref<16384xi32, #tpu.memory_space<hbm>>, %arg6: memref<16384xf32, #tpu.memory_space<hbm>>, %arg7: memref<512xi32, #tpu.memory_space<vmem>>, %arg8: memref<512xi32, #tpu.memory_space<vmem>>, %arg9: memref<32x128xf32, #tpu.memory_space<vmem>>, %arg10: memref<32x128xf32, #tpu.memory_space<vmem>>, %arg11: memref<32x128xf32, #tpu.memory_space<vmem>>, %arg12: memref<32x128xf32, #tpu.memory_space<vmem>>, %arg13: memref<32x128xf32, #tpu.memory_space<vmem>>, %arg14: memref<32x128xf32, #tpu.memory_space<vmem>>, %arg15: memref<32x128xf32, #tpu.memory_space<vmem>>, %arg16: memref<32x128xf32, #tpu.memory_space<vmem>>, %arg17: memref<16x17xf32, #tpu.memory_space<vmem>>, %arg18: memref<512xf32, #tpu.memory_space<vmem>>, %arg19: memref<!tpu.dma_semaphore, #tpu.memory_space<semaphore_mem>>, %arg20: memref<!tpu.dma_semaphore, #tpu.memory_space<semaphore_mem>>, %arg21: memref<!tpu.dma_semaphore, #tpu.memory_space<semaphore_mem>>, %arg22: memref<!tpu.dma_semaphore, #tpu.memory_space<semaphore_mem>>, %arg23: memref<!tpu.dma_semaphore, #tpu.memory_space<semaphore_mem>>, %arg24: memref<!tpu.dma_semaphore, #tpu.memory_space<semaphore_mem>>, %arg25: memref<!tpu.dma_semaphore, #tpu.memory_space<semaphore_mem>>, %arg26: memref<!tpu.dma_semaphore, #tpu.memory_space<semaphore_mem>>) attributes {dimension_semantics = [#tpu.dimension_semantics<core_parallel>, #tpu.dimension_semantics<subcore_parallel>], iteration_bounds = array<i64: 2, 16>, scalar_prefetch = 0 : i64, scratch_operands = 20 : i64, tpu.core_type = #tpu.core_type<sc_vector_subcore>, window_params = [{transform_indices = #map}, {transform_indices = #map}, {transform_indices = #map1}, {transform_indices = #map1}, {transform_indices = #map1}]} {
    %mul3A = arith.constant 2 : i32
    %mul3A_0 = arith.muli %arg1, %mul3A : i32
    %add3A = arith.addi %mul3A_0, %arg0 : i32
    %mul3A_1 = arith.constant 512 : i32
    %mul3A_2 = arith.muli %add3A, %mul3A_1 : i32
    "tpu.region"() ({
      %run_scoped3A = tpu.sem_alloc : memref<!tpu.dma_semaphore, #tpu.memory_space<semaphore_mem>>
      %dma_start3A_71 = tpu.memref_slice %arg4[%mul3A_2] : memref<16384xi32, #tpu.memory_space<hbm>> -> memref<512xi32, #tpu.memory_space<hbm>>
      %dma_start3A_72 = tpu.memref_slice %arg4[%mul3A_2] : memref<16384xi32, #tpu.memory_space<hbm>> -> memref<512xi32, #tpu.memory_space<hbm>>
      tpu.enqueue_dma source(%dma_start3A_72 : memref<512xi32, #tpu.memory_space<hbm>>) target(%arg7 : memref<512xi32, #tpu.memory_space<vmem>>) target_semaphore(%run_scoped3A : memref<!tpu.dma_semaphore, #tpu.memory_space<semaphore_mem>>)
      %dma_wait3A = tpu.memref_slice %arg4[%mul3A_2] : memref<16384xi32, #tpu.memory_space<hbm>> -> memref<512xi32, #tpu.memory_space<hbm>>
      %dma_wait3A_73 = tpu.memref_slice %arg4[%mul3A_2] : memref<16384xi32, #tpu.memory_space<hbm>> -> memref<512xi32, #tpu.memory_space<hbm>>
      tpu.wait_dma2 semaphore(%run_scoped3A : memref<!tpu.dma_semaphore, #tpu.memory_space<semaphore_mem>>) src(%dma_wait3A_73 : memref<512xi32, #tpu.memory_space<hbm>>) dst(%arg7 : memref<512xi32, #tpu.memory_space<vmem>>)
      tpu.yield
    }) : () -> ()
    "tpu.region"() ({
      %run_scoped3A = tpu.sem_alloc : memref<!tpu.dma_semaphore, #tpu.memory_space<semaphore_mem>>
      %dma_start3A_71 = tpu.memref_slice %arg5[%mul3A_2] : memref<16384xi32, #tpu.memory_space<hbm>> -> memref<512xi32, #tpu.memory_space<hbm>>
      %dma_start3A_72 = tpu.memref_slice %arg5[%mul3A_2] : memref<16384xi32, #tpu.memory_space<hbm>> -> memref<512xi32, #tpu.memory_space<hbm>>
      tpu.enqueue_dma source(%dma_start3A_72 : memref<512xi32, #tpu.memory_space<hbm>>) target(%arg8 : memref<512xi32, #tpu.memory_space<vmem>>) target_semaphore(%run_scoped3A : memref<!tpu.dma_semaphore, #tpu.memory_space<semaphore_mem>>)
      %dma_wait3A = tpu.memref_slice %arg5[%mul3A_2] : memref<16384xi32, #tpu.memory_space<hbm>> -> memref<512xi32, #tpu.memory_space<hbm>>
      %dma_wait3A_73 = tpu.memref_slice %arg5[%mul3A_2] : memref<16384xi32, #tpu.memory_space<hbm>> -> memref<512xi32, #tpu.memory_space<hbm>>
      tpu.wait_dma2 semaphore(%run_scoped3A : memref<!tpu.dma_semaphore, #tpu.memory_space<semaphore_mem>>) src(%dma_wait3A_73 : memref<512xi32, #tpu.memory_space<hbm>>) dst(%arg8 : memref<512xi32, #tpu.memory_space<vmem>>)
      tpu.yield
    }) : () -> ()
    %iota3A = tpu.iota {dimensions = array<i32: 0>} : vector<16xi32>
    %get3A = arith.constant 0 : index
    %get3A_3 = tpu.vector_load %arg7[%get3A] {strides = array<i32>} : memref<512xi32, #tpu.memory_space<vmem>>, vector<16xi32>,
    %get3A_4 = arith.constant 0 : index
    %get3A_5 = tpu.vector_load %arg8[%get3A_4] {strides = array<i32>} : memref<512xi32, #tpu.memory_space<vmem>>, vector<16xi32>,
    %slice3A = vector.extract_strided_slice %get3A_3 {offsets = [0], sizes = [1], strides = [1]} : vector<16xi32> to vector<1xi32>
    %squeeze3A = vector.extract %slice3A[0] : i32 from vector<1xi32>
    %slice3A_6 = vector.extract_strided_slice %get3A_5 {offsets = [0], sizes = [1], strides = [1]} : vector<16xi32> to vector<1xi32>
    %squeeze3A_7 = vector.extract %slice3A_6[0] : i32 from vector<1xi32>
    %shift_right_arithmetic3A = arith.constant 7 : i32
    %shift_right_arithmetic3A_8 = arith.shrsi %squeeze3A, %shift_right_arithmetic3A : i32
    %mul3A_9 = arith.constant 128 : i32
    %mul3A_10 = arith.muli %shift_right_arithmetic3A_8, %mul3A_9 : i32
    %multiple_of3A = tpu.assume_multiple %mul3A_10, 128 : i32
    %dma_start3A = arith.constant 0 : i32
    %dma_start3A_11 = tpu.memref_slice %arg2[%dma_start3A, %multiple_of3A] : memref<32x1000001xf32, #tpu.memory_space<hbm>> -> memref<32x128xf32, #tpu.memory_space<hbm>>
    %dma_start3A_12 = arith.constant 0 : i32
    %dma_start3A_13 = tpu.memref_slice %arg2[%dma_start3A_12, %multiple_of3A] : memref<32x1000001xf32, #tpu.memory_space<hbm>> -> memref<32x128xf32, #tpu.memory_space<hbm>>
    tpu.enqueue_dma source(%dma_start3A_13 : memref<32x128xf32, #tpu.memory_space<hbm>>) target(%arg9 : memref<32x128xf32, #tpu.memory_space<vmem>>) target_semaphore(%arg19 : memref<!tpu.dma_semaphore, #tpu.memory_space<semaphore_mem>>)
    %shift_right_arithmetic3A_14 = arith.constant 7 : i32
    %shift_right_arithmetic3A_15 = arith.shrsi %squeeze3A_7, %shift_right_arithmetic3A_14 : i32
    %mul3A_16 = arith.constant 128 : i32
    %mul3A_17 = arith.muli %shift_right_arithmetic3A_15, %mul3A_16 : i32
    %multiple_of3A_18 = tpu.assume_multiple %mul3A_17, 128 : i32
    %dma_start3A_19 = arith.constant 0 : i32
    %dma_start3A_20 = tpu.memref_slice %arg3[%dma_start3A_19, %multiple_of3A_18] : memref<32x1000001xf32, #tpu.memory_space<hbm>> -> memref<32x128xf32, #tpu.memory_space<hbm>>
    %dma_start3A_21 = arith.constant 0 : i32
    %dma_start3A_22 = tpu.memref_slice %arg3[%dma_start3A_21, %multiple_of3A_18] : memref<32x1000001xf32, #tpu.memory_space<hbm>> -> memref<32x128xf32, #tpu.memory_space<hbm>>
    tpu.enqueue_dma source(%dma_start3A_22 : memref<32x128xf32, #tpu.memory_space<hbm>>) target(%arg13 : memref<32x128xf32, #tpu.memory_space<vmem>>) target_semaphore(%arg23 : memref<!tpu.dma_semaphore, #tpu.memory_space<semaphore_mem>>)
    %slice3A_23 = vector.extract_strided_slice %get3A_3 {offsets = [1], sizes = [1], strides = [1]} : vector<16xi32> to vector<1xi32>
    %squeeze3A_24 = vector.extract %slice3A_23[0] : i32 from vector<1xi32>
    %slice3A_25 = vector.extract_strided_slice %get3A_5 {offsets = [1], sizes = [1], strides = [1]} : vector<16xi32> to vector<1xi32>
    %squeeze3A_26 = vector.extract %slice3A_25[0] : i32 from vector<1xi32>
    %shift_right_arithmetic3A_27 = arith.constant 7 : i32
    %shift_right_arithmetic3A_28 = arith.shrsi %squeeze3A_24, %shift_right_arithmetic3A_27 : i32
    %mul3A_29 = arith.constant 128 : i32
    %mul3A_30 = arith.muli %shift_right_arithmetic3A_28, %mul3A_29 : i32
    %multiple_of3A_31 = tpu.assume_multiple %mul3A_30, 128 : i32
    %dma_start3A_32 = arith.constant 0 : i32
    %dma_start3A_33 = tpu.memref_slice %arg2[%dma_start3A_32, %multiple_of3A_31] : memref<32x1000001xf32, #tpu.memory_space<hbm>> -> memref<32x128xf32, #tpu.memory_space<hbm>>
    %dma_start3A_34 = arith.constant 0 : i32
    %dma_start3A_35 = tpu.memref_slice %arg2[%dma_start3A_34, %multiple_of3A_31] : memref<32x1000001xf32, #tpu.memory_space<hbm>> -> memref<32x128xf32, #tpu.memory_space<hbm>>
    tpu.enqueue_dma source(%dma_start3A_35 : memref<32x128xf32, #tpu.memory_space<hbm>>) target(%arg10 : memref<32x128xf32, #tpu.memory_space<vmem>>) target_semaphore(%arg20 : memref<!tpu.dma_semaphore, #tpu.memory_space<semaphore_mem>>)
    %shift_right_arithmetic3A_36 = arith.constant 7 : i32
    %shift_right_arithmetic3A_37 = arith.shrsi %squeeze3A_26, %shift_right_arithmetic3A_36 : i32
    %mul3A_38 = arith.constant 128 : i32
    %mul3A_39 = arith.muli %shift_right_arithmetic3A_37, %mul3A_38 : i32
    %multiple_of3A_40 = tpu.assume_multiple %mul3A_39, 128 : i32
    %dma_start3A_41 = arith.constant 0 : i32
    %dma_start3A_42 = tpu.memref_slice %arg3[%dma_start3A_41, %multiple_of3A_40] : memref<32x1000001xf32, #tpu.memory_space<hbm>> -> memref<32x128xf32, #tpu.memory_space<hbm>>
    %dma_start3A_43 = arith.constant 0 : i32
    %dma_start3A_44 = tpu.memref_slice %arg3[%dma_start3A_43, %multiple_of3A_40] : memref<32x1000001xf32, #tpu.memory_space<hbm>> -> memref<32x128xf32, #tpu.memory_space<hbm>>
    tpu.enqueue_dma source(%dma_start3A_44 : memref<32x128xf32, #tpu.memory_space<hbm>>) target(%arg14 : memref<32x128xf32, #tpu.memory_space<vmem>>) target_semaphore(%arg24 : memref<!tpu.dma_semaphore, #tpu.memory_space<semaphore_mem>>)
    %slice3A_45 = vector.extract_strided_slice %get3A_3 {offsets = [2], sizes = [1], strides = [1]} : vector<16xi32> to vector<1xi32>
    %squeeze3A_46 = vector.extract %slice3A_45[0] : i32 from vector<1xi32>
    %slice3A_47 = vector.extract_strided_slice %get3A_5 {offsets = [2], sizes = [1], strides = [1]} : vector<16xi32> to vector<1xi32>
    %squeeze3A_48 = vector.extract %slice3A_47[0] : i32 from vector<1xi32>
    %shift_right_arithmetic3A_49 = arith.constant 7 : i32
    %shift_right_arithmetic3A_50 = arith.shrsi %squeeze3A_46, %shift_right_arithmetic3A_49 : i32
    %mul3A_51 = arith.constant 128 : i32
    %mul3A_52 = arith.muli %shift_right_arithmetic3A_50, %mul3A_51 : i32
    %multiple_of3A_53 = tpu.assume_multiple %mul3A_52, 128 : i32
    %dma_start3A_54 = arith.constant 0 : i32
    %dma_start3A_55 = tpu.memref_slice %arg2[%dma_start3A_54, %multiple_of3A_53] : memref<32x1000001xf32, #tpu.memory_space<hbm>> -> memref<32x128xf32, #tpu.memory_space<hbm>>
    %dma_start3A_56 = arith.constant 0 : i32
    %dma_start3A_57 = tpu.memref_slice %arg2[%dma_start3A_56, %multiple_of3A_53] : memref<32x1000001xf32, #tpu.memory_space<hbm>> -> memref<32x128xf32, #tpu.memory_space<hbm>>
    tpu.enqueue_dma source(%dma_start3A_57 : memref<32x128xf32, #tpu.memory_space<hbm>>) target(%arg11 : memref<32x128xf32, #tpu.memory_space<vmem>>) target_semaphore(%arg21 : memref<!tpu.dma_semaphore, #tpu.memory_space<semaphore_mem>>)
    %shift_right_arithmetic3A_58 = arith.constant 7 : i32
    %shift_right_arithmetic3A_59 = arith.shrsi %squeeze3A_48, %shift_right_arithmetic3A_58 : i32
    %mul3A_60 = arith.constant 128 : i32
    %mul3A_61 = arith.muli %shift_right_arithmetic3A_59, %mul3A_60 : i32
    %multiple_of3A_62 = tpu.assume_multiple %mul3A_61, 128 : i32
    %dma_start3A_63 = arith.constant 0 : i32
    %dma_start3A_64 = tpu.memref_slice %arg3[%dma_start3A_63, %multiple_of3A_62] : memref<32x1000001xf32, #tpu.memory_space<hbm>> -> memref<32x128xf32, #tpu.memory_space<hbm>>
    %dma_start3A_65 = arith.constant 0 : i32
    %dma_start3A_66 = tpu.memref_slice %arg3[%dma_start3A_65, %multiple_of3A_62] : memref<32x1000001xf32, #tpu.memory_space<hbm>> -> memref<32x128xf32, #tpu.memory_space<hbm>>
    tpu.enqueue_dma source(%dma_start3A_66 : memref<32x128xf32, #tpu.memory_space<hbm>>) target(%arg15 : memref<32x128xf32, #tpu.memory_space<vmem>>) target_semaphore(%arg25 : memref<!tpu.dma_semaphore, #tpu.memory_space<semaphore_mem>>)
    %scan3A = arith.constant 0 : i32
    %scan3A_67 = arith.constant 32 : i32
    %scan3A_68 = arith.addi %scan3A, %scan3A_67 : i32
    %scan3A_69 = arith.constant 1 : i32
    scf.for %scan3A_71 = %scan3A to %scan3A_68 step %scan3A_69  : i32 {
      %mul3A_72 = arith.constant 1 : i32
      %mul3A_73 = arith.muli %scan3A_71, %mul3A_72 : i32
      %add3A_74 = arith.constant 0 : i32
      %add3A_75 = arith.addi %add3A_74, %mul3A_73 : i32
      %mul3A_76 = arith.constant 16 : i32
      %mul3A_77 = arith.muli %add3A_75, %mul3A_76 : i32
      %get3A_78 = arith.index_cast %mul3A_77 : i32 to index
      %get3A_79 = tpu.vector_load %arg7[%get3A_78] {strides = array<i32>} : memref<512xi32, #tpu.memory_space<vmem>>, vector<16xi32>,
      %mul3A_80 = arith.constant 16 : i32
      %mul3A_81 = arith.muli %add3A_75, %mul3A_80 : i32
      %get3A_82 = arith.index_cast %mul3A_81 : i32 to index
      %get3A_83 = tpu.vector_load %arg8[%get3A_82] {strides = array<i32>} : memref<512xi32, #tpu.memory_space<vmem>>, vector<16xi32>,
      %slice3A_84 = vector.extract_strided_slice %get3A_79 {offsets = [0], sizes = [1], strides = [1]} : vector<16xi32> to vector<1xi32>
      %squeeze3A_85 = vector.extract %slice3A_84[0] : i32 from vector<1xi32>
      %slice3A_86 = vector.extract_strided_slice %get3A_79 {offsets = [1], sizes = [1], strides = [1]} : vector<16xi32> to vector<1xi32>
      %squeeze3A_87 = vector.extract %slice3A_86[0] : i32 from vector<1xi32>
      %slice3A_88 = vector.extract_strided_slice %get3A_79 {offsets = [2], sizes = [1], strides = [1]} : vector<16xi32> to vector<1xi32>
      %squeeze3A_89 = vector.extract %slice3A_88[0] : i32 from vector<1xi32>
      %slice3A_90 = vector.extract_strided_slice %get3A_79 {offsets = [3], sizes = [1], strides = [1]} : vector<16xi32> to vector<1xi32>
      %squeeze3A_91 = vector.extract %slice3A_90[0] : i32 from vector<1xi32>
      %slice3A_92 = vector.extract_strided_slice %get3A_79 {offsets = [4], sizes = [1], strides = [1]} : vector<16xi32> to vector<1xi32>
      %squeeze3A_93 = vector.extract %slice3A_92[0] : i32 from vector<1xi32>
      %slice3A_94 = vector.extract_strided_slice %get3A_79 {offsets = [5], sizes = [1], strides = [1]} : vector<16xi32> to vector<1xi32>
      %squeeze3A_95 = vector.extract %slice3A_94[0] : i32 from vector<1xi32>
      %slice3A_96 = vector.extract_strided_slice %get3A_79 {offsets = [6], sizes = [1], strides = [1]} : vector<16xi32> to vector<1xi32>
      %squeeze3A_97 = vector.extract %slice3A_96[0] : i32 from vector<1xi32>
      %slice3A_98 = vector.extract_strided_slice %get3A_79 {offsets = [7], sizes = [1], strides = [1]} : vector<16xi32> to vector<1xi32>
      %squeeze3A_99 = vector.extract %slice3A_98[0] : i32 from vector<1xi32>
      %slice3A_100 = vector.extract_strided_slice %get3A_79 {offsets = [8], sizes = [1], strides = [1]} : vector<16xi32> to vector<1xi32>
      %squeeze3A_101 = vector.extract %slice3A_100[0] : i32 from vector<1xi32>
      %slice3A_102 = vector.extract_strided_slice %get3A_79 {offsets = [9], sizes = [1], strides = [1]} : vector<16xi32> to vector<1xi32>
      %squeeze3A_103 = vector.extract %slice3A_102[0] : i32 from vector<1xi32>
      %slice3A_104 = vector.extract_strided_slice %get3A_79 {offsets = [10], sizes = [1], strides = [1]} : vector<16xi32> to vector<1xi32>
      %squeeze3A_105 = vector.extract %slice3A_104[0] : i32 from vector<1xi32>
      %slice3A_106 = vector.extract_strided_slice %get3A_79 {offsets = [11], sizes = [1], strides = [1]} : vector<16xi32> to vector<1xi32>
      %squeeze3A_107 = vector.extract %slice3A_106[0] : i32 from vector<1xi32>
      %slice3A_108 = vector.extract_strided_slice %get3A_79 {offsets = [12], sizes = [1], strides = [1]} : vector<16xi32> to vector<1xi32>
      %squeeze3A_109 = vector.extract %slice3A_108[0] : i32 from vector<1xi32>
      %slice3A_110 = vector.extract_strided_slice %get3A_79 {offsets = [13], sizes = [1], strides = [1]} : vector<16xi32> to vector<1xi32>
      %squeeze3A_111 = vector.extract %slice3A_110[0] : i32 from vector<1xi32>
      %slice3A_112 = vector.extract_strided_slice %get3A_79 {offsets = [14], sizes = [1], strides = [1]} : vector<16xi32> to vector<1xi32>
      %squeeze3A_113 = vector.extract %slice3A_112[0] : i32 from vector<1xi32>
      %slice3A_114 = vector.extract_strided_slice %get3A_79 {offsets = [15], sizes = [1], strides = [1]} : vector<16xi32> to vector<1xi32>
      %squeeze3A_115 = vector.extract %slice3A_114[0] : i32 from vector<1xi32>
      %slice3A_116 = vector.extract_strided_slice %get3A_83 {offsets = [0], sizes = [1], strides = [1]} : vector<16xi32> to vector<1xi32>
      %squeeze3A_117 = vector.extract %slice3A_116[0] : i32 from vector<1xi32>
      %slice3A_118 = vector.extract_strided_slice %get3A_83 {offsets = [1], sizes = [1], strides = [1]} : vector<16xi32> to vector<1xi32>
      %squeeze3A_119 = vector.extract %slice3A_118[0] : i32 from vector<1xi32>
      %slice3A_120 = vector.extract_strided_slice %get3A_83 {offsets = [2], sizes = [1], strides = [1]} : vector<16xi32> to vector<1xi32>
      %squeeze3A_121 = vector.extract %slice3A_120[0] : i32 from vector<1xi32>
      %slice3A_122 = vector.extract_strided_slice %get3A_83 {offsets = [3], sizes = [1], strides = [1]} : vector<16xi32> to vector<1xi32>
      %squeeze3A_123 = vector.extract %slice3A_122[0] : i32 from vector<1xi32>
      %slice3A_124 = vector.extract_strided_slice %get3A_83 {offsets = [4], sizes = [1], strides = [1]} : vector<16xi32> to vector<1xi32>
      %squeeze3A_125 = vector.extract %slice3A_124[0] : i32 from vector<1xi32>
      %slice3A_126 = vector.extract_strided_slice %get3A_83 {offsets = [5], sizes = [1], strides = [1]} : vector<16xi32> to vector<1xi32>
      %squeeze3A_127 = vector.extract %slice3A_126[0] : i32 from vector<1xi32>
      %slice3A_128 = vector.extract_strided_slice %get3A_83 {offsets = [6], sizes = [1], strides = [1]} : vector<16xi32> to vector<1xi32>
      %squeeze3A_129 = vector.extract %slice3A_128[0] : i32 from vector<1xi32>
      %slice3A_130 = vector.extract_strided_slice %get3A_83 {offsets = [7], sizes = [1], strides = [1]} : vector<16xi32> to vector<1xi32>
      %squeeze3A_131 = vector.extract %slice3A_130[0] : i32 from vector<1xi32>
      %slice3A_132 = vector.extract_strided_slice %get3A_83 {offsets = [8], sizes = [1], strides = [1]} : vector<16xi32> to vector<1xi32>
      %squeeze3A_133 = vector.extract %slice3A_132[0] : i32 from vector<1xi32>
      %slice3A_134 = vector.extract_strided_slice %get3A_83 {offsets = [9], sizes = [1], strides = [1]} : vector<16xi32> to vector<1xi32>
      %squeeze3A_135 = vector.extract %slice3A_134[0] : i32 from vector<1xi32>
      %slice3A_136 = vector.extract_strided_slice %get3A_83 {offsets = [10], sizes = [1], strides = [1]} : vector<16xi32> to vector<1xi32>
      %squeeze3A_137 = vector.extract %slice3A_136[0] : i32 from vector<1xi32>
      %slice3A_138 = vector.extract_strided_slice %get3A_83 {offsets = [11], sizes = [1], strides = [1]} : vector<16xi32> to vector<1xi32>
      %squeeze3A_139 = vector.extract %slice3A_138[0] : i32 from vector<1xi32>
      %slice3A_140 = vector.extract_strided_slice %get3A_83 {offsets = [12], sizes = [1], strides = [1]} : vector<16xi32> to vector<1xi32>
      %squeeze3A_141 = vector.extract %slice3A_140[0] : i32 from vector<1xi32>
      %slice3A_142 = vector.extract_strided_slice %get3A_83 {offsets = [13], sizes = [1], strides = [1]} : vector<16xi32> to vector<1xi32>
      %squeeze3A_143 = vector.extract %slice3A_142[0] : i32 from vector<1xi32>
      %slice3A_144 = vector.extract_strided_slice %get3A_83 {offsets = [14], sizes = [1], strides = [1]} : vector<16xi32> to vector<1xi32>
      %squeeze3A_145 = vector.extract %slice3A_144[0] : i32 from vector<1xi32>
      %slice3A_146 = vector.extract_strided_slice %get3A_83 {offsets = [15], sizes = [1], strides = [1]} : vector<16xi32> to vector<1xi32>
      %squeeze3A_147 = vector.extract %slice3A_146[0] : i32 from vector<1xi32>
      %shift_right_arithmetic3A_148 = arith.constant 7 : i32
      %shift_right_arithmetic3A_149 = arith.shrsi %squeeze3A_91, %shift_right_arithmetic3A_148 : i32
      %mul3A_150 = arith.constant 128 : i32
      %mul3A_151 = arith.muli %shift_right_arithmetic3A_149, %mul3A_150 : i32
      %multiple_of3A_152 = tpu.assume_multiple %mul3A_151, 128 : i32
      %dma_start3A_153 = arith.constant 0 : i32
      %dma_start3A_154 = tpu.memref_slice %arg2[%dma_start3A_153, %multiple_of3A_152] : memref<32x1000001xf32, #tpu.memory_space<hbm>> -> memref<32x128xf32, #tpu.memory_space<hbm>>
      %dma_start3A_155 = arith.constant 0 : i32
      %dma_start3A_156 = tpu.memref_slice %arg2[%dma_start3A_155, %multiple_of3A_152] : memref<32x1000001xf32, #tpu.memory_space<hbm>> -> memref<32x128xf32, #tpu.memory_space<hbm>>
      tpu.enqueue_dma source(%dma_start3A_156 : memref<32x128xf32, #tpu.memory_space<hbm>>) target(%arg12 : memref<32x128xf32, #tpu.memory_space<vmem>>) target_semaphore(%arg22 : memref<!tpu.dma_semaphore, #tpu.memory_space<semaphore_mem>>)
      %shift_right_arithmetic3A_157 = arith.constant 7 : i32
      %shift_right_arithmetic3A_158 = arith.shrsi %squeeze3A_123, %shift_right_arithmetic3A_157 : i32
      %mul3A_159 = arith.constant 128 : i32
      %mul3A_160 = arith.muli %shift_right_arithmetic3A_158, %mul3A_159 : i32
      %multiple_of3A_161 = tpu.assume_multiple %mul3A_160, 128 : i32
      %dma_start3A_162 = arith.constant 0 : i32
      %dma_start3A_163 = tpu.memref_slice %arg3[%dma_start3A_162, %multiple_of3A_161] : memref<32x1000001xf32, #tpu.memory_space<hbm>> -> memref<32x128xf32, #tpu.memory_space<hbm>>
      %dma_start3A_164 = arith.constant 0 : i32
      %dma_start3A_165 = tpu.memref_slice %arg3[%dma_start3A_164, %multiple_of3A_161] : memref<32x1000001xf32, #tpu.memory_space<hbm>> -> memref<32x128xf32, #tpu.memory_space<hbm>>
      tpu.enqueue_dma source(%dma_start3A_165 : memref<32x128xf32, #tpu.memory_space<hbm>>) target(%arg16 : memref<32x128xf32, #tpu.memory_space<vmem>>) target_semaphore(%arg26 : memref<!tpu.dma_semaphore, #tpu.memory_space<semaphore_mem>>)
      %dma_wait3A = arith.constant 0 : i32
      %dma_wait3A_166 = arith.constant 0 : i32
      %dma_wait3A_167 = tpu.memref_slice %arg2[%dma_wait3A, %dma_wait3A_166] : memref<32x1000001xf32, #tpu.memory_space<hbm>> -> memref<32x128xf32, #tpu.memory_space<hbm>>
      %dma_wait3A_168 = arith.constant 0 : i32
      %dma_wait3A_169 = arith.constant 0 : i32
      %dma_wait3A_170 = tpu.memref_slice %arg2[%dma_wait3A_168, %dma_wait3A_169] : memref<32x1000001xf32, #tpu.memory_space<hbm>> -> memref<32x128xf32, #tpu.memory_space<hbm>>
      tpu.wait_dma2 semaphore(%arg19 : memref<!tpu.dma_semaphore, #tpu.memory_space<semaphore_mem>>) src(%dma_wait3A_170 : memref<32x128xf32, #tpu.memory_space<hbm>>) dst(%arg9 : memref<32x128xf32, #tpu.memory_space<vmem>>)
      %dma_wait3A_171 = arith.constant 0 : i32
      %dma_wait3A_172 = arith.constant 0 : i32
      %dma_wait3A_173 = tpu.memref_slice %arg3[%dma_wait3A_171, %dma_wait3A_172] : memref<32x1000001xf32, #tpu.memory_space<hbm>> -> memref<32x128xf32, #tpu.memory_space<hbm>>
      %dma_wait3A_174 = arith.constant 0 : i32
      %dma_wait3A_175 = arith.constant 0 : i32
      %dma_wait3A_176 = tpu.memref_slice %arg3[%dma_wait3A_174, %dma_wait3A_175] : memref<32x1000001xf32, #tpu.memory_space<hbm>> -> memref<32x128xf32, #tpu.memory_space<hbm>>
      tpu.wait_dma2 semaphore(%arg23 : memref<!tpu.dma_semaphore, #tpu.memory_space<semaphore_mem>>) src(%dma_wait3A_176 : memref<32x128xf32, #tpu.memory_space<hbm>>) dst(%arg13 : memref<32x128xf32, #tpu.memory_space<vmem>>)
      %and3A = arith.constant 127 : i32
      %and3A_177 = arith.andi %squeeze3A_85, %and3A : i32
      %broadcast_in_dim3A = vector.broadcast %and3A_177 : i32 to vector<16xi32>
      %and3A_178 = arith.constant 127 : i32
      %and3A_179 = arith.andi %squeeze3A_117, %and3A_178 : i32
      %broadcast_in_dim3A_180 = vector.broadcast %and3A_179 : i32 to vector<16xi32>
      %gather3A = tpu.vector_load_idx %arg9[%iota3A, %broadcast_in_dim3A] : memref<32x128xf32, #tpu.memory_space<vmem>>[vector<16xi32>, vector<16xi32>], vector<16xf32>,
      %add3A_181 = arith.constant 16 : i32
      %add3A_182 = vector.broadcast %add3A_181 : i32 to vector<16xi32>
      %add3A_183 = arith.addi %iota3A, %add3A_182 : vector<16xi32>
      %gather3A_184 = tpu.vector_load_idx %arg9[%add3A_183, %broadcast_in_dim3A] : memref<32x128xf32, #tpu.memory_space<vmem>>[vector<16xi32>, vector<16xi32>], vector<16xf32>,
      %gather3A_185 = tpu.vector_load_idx %arg13[%iota3A, %broadcast_in_dim3A_180] : memref<32x128xf32, #tpu.memory_space<vmem>>[vector<16xi32>, vector<16xi32>], vector<16xf32>,
      %add3A_186 = arith.constant 16 : i32
      %add3A_187 = vector.broadcast %add3A_186 : i32 to vector<16xi32>
      %add3A_188 = arith.addi %iota3A, %add3A_187 : vector<16xi32>
      %gather3A_189 = tpu.vector_load_idx %arg13[%add3A_188, %broadcast_in_dim3A_180] : memref<32x128xf32, #tpu.memory_space<vmem>>[vector<16xi32>, vector<16xi32>], vector<16xf32>,
      %mul3A_190 = arith.mulf %gather3A, %gather3A_185 : vector<16xf32>
      %mul3A_191 = arith.mulf %gather3A_184, %gather3A_189 : vector<16xf32>
      %add3A_192 = arith.addf %mul3A_190, %mul3A_191 : vector<16xf32>
      %swap3A = arith.constant 0 : i32
      %swap3A_193 = arith.index_cast %swap3A : i32 to index
      %swap3A_194 = arith.constant 0 : index
      %swap3A_195 = tpu.vector_load %arg17[%swap3A_193, %swap3A_194] {strides = array<i32>} : memref<16x17xf32, #tpu.memory_space<vmem>>, vector<16xf32>,
      tpu.vector_store %arg17[%swap3A_193, %swap3A_194], %add3A_192 {strides = array<i32>} : memref<16x17xf32, #tpu.memory_space<vmem>>, vector<16xf32>,
      %shift_right_arithmetic3A_196 = arith.constant 7 : i32
      %shift_right_arithmetic3A_197 = arith.shrsi %squeeze3A_93, %shift_right_arithmetic3A_196 : i32
      %mul3A_198 = arith.constant 128 : i32
      %mul3A_199 = arith.muli %shift_right_arithmetic3A_197, %mul3A_198 : i32
      %multiple_of3A_200 = tpu.assume_multiple %mul3A_199, 128 : i32
      %dma_start3A_201 = arith.constant 0 : i32
      %dma_start3A_202 = tpu.memref_slice %arg2[%dma_start3A_201, %multiple_of3A_200] : memref<32x1000001xf32, #tpu.memory_space<hbm>> -> memref<32x128xf32, #tpu.memory_space<hbm>>
      %dma_start3A_203 = arith.constant 0 : i32
      %dma_start3A_204 = tpu.memref_slice %arg2[%dma_start3A_203, %multiple_of3A_200] : memref<32x1000001xf32, #tpu.memory_space<hbm>> -> memref<32x128xf32, #tpu.memory_space<hbm>>
      tpu.enqueue_dma source(%dma_start3A_204 : memref<32x128xf32, #tpu.memory_space<hbm>>) target(%arg9 : memref<32x128xf32, #tpu.memory_space<vmem>>) target_semaphore(%arg19 : memref<!tpu.dma_semaphore, #tpu.memory_space<semaphore_mem>>)
      %shift_right_arithmetic3A_205 = arith.constant 7 : i32
      %shift_right_arithmetic3A_206 = arith.shrsi %squeeze3A_125, %shift_right_arithmetic3A_205 : i32
      %mul3A_207 = arith.constant 128 : i32
      %mul3A_208 = arith.muli %shift_right_arithmetic3A_206, %mul3A_207 : i32
      %multiple_of3A_209 = tpu.assume_multiple %mul3A_208, 128 : i32
      %dma_start3A_210 = arith.constant 0 : i32
      %dma_start3A_211 = tpu.memref_slice %arg3[%dma_start3A_210, %multiple_of3A_209] : memref<32x1000001xf32, #tpu.memory_space<hbm>> -> memref<32x128xf32, #tpu.memory_space<hbm>>
      %dma_start3A_212 = arith.constant 0 : i32
      %dma_start3A_213 = tpu.memref_slice %arg3[%dma_start3A_212, %multiple_of3A_209] : memref<32x1000001xf32, #tpu.memory_space<hbm>> -> memref<32x128xf32, #tpu.memory_space<hbm>>
      tpu.enqueue_dma source(%dma_start3A_213 : memref<32x128xf32, #tpu.memory_space<hbm>>) target(%arg13 : memref<32x128xf32, #tpu.memory_space<vmem>>) target_semaphore(%arg23 : memref<!tpu.dma_semaphore, #tpu.memory_space<semaphore_mem>>)
      %dma_wait3A_214 = arith.constant 0 : i32
      %dma_wait3A_215 = arith.constant 0 : i32
      %dma_wait3A_216 = tpu.memref_slice %arg2[%dma_wait3A_214, %dma_wait3A_215] : memref<32x1000001xf32, #tpu.memory_space<hbm>> -> memref<32x128xf32, #tpu.memory_space<hbm>>
      %dma_wait3A_217 = arith.constant 0 : i32
      %dma_wait3A_218 = arith.constant 0 : i32
      %dma_wait3A_219 = tpu.memref_slice %arg2[%dma_wait3A_217, %dma_wait3A_218] : memref<32x1000001xf32, #tpu.memory_space<hbm>> -> memref<32x128xf32, #tpu.memory_space<hbm>>
      tpu.wait_dma2 semaphore(%arg20 : memref<!tpu.dma_semaphore, #tpu.memory_space<semaphore_mem>>) src(%dma_wait3A_219 : memref<32x128xf32, #tpu.memory_space<hbm>>) dst(%arg10 : memref<32x128xf32, #tpu.memory_space<vmem>>)
      %dma_wait3A_220 = arith.constant 0 : i32
      %dma_wait3A_221 = arith.constant 0 : i32
      %dma_wait3A_222 = tpu.memref_slice %arg3[%dma_wait3A_220, %dma_wait3A_221] : memref<32x1000001xf32, #tpu.memory_space<hbm>> -> memref<32x128xf32, #tpu.memory_space<hbm>>
      %dma_wait3A_223 = arith.constant 0 : i32
      %dma_wait3A_224 = arith.constant 0 : i32
      %dma_wait3A_225 = tpu.memref_slice %arg3[%dma_wait3A_223, %dma_wait3A_224] : memref<32x1000001xf32, #tpu.memory_space<hbm>> -> memref<32x128xf32, #tpu.memory_space<hbm>>
      tpu.wait_dma2 semaphore(%arg24 : memref<!tpu.dma_semaphore, #tpu.memory_space<semaphore_mem>>) src(%dma_wait3A_225 : memref<32x128xf32, #tpu.memory_space<hbm>>) dst(%arg14 : memref<32x128xf32, #tpu.memory_space<vmem>>)
      %and3A_226 = arith.constant 127 : i32
      %and3A_227 = arith.andi %squeeze3A_87, %and3A_226 : i32
      %broadcast_in_dim3A_228 = vector.broadcast %and3A_227 : i32 to vector<16xi32>
      %and3A_229 = arith.constant 127 : i32
      %and3A_230 = arith.andi %squeeze3A_119, %and3A_229 : i32
      %broadcast_in_dim3A_231 = vector.broadcast %and3A_230 : i32 to vector<16xi32>
      %gather3A_232 = tpu.vector_load_idx %arg10[%iota3A, %broadcast_in_dim3A_228] : memref<32x128xf32, #tpu.memory_space<vmem>>[vector<16xi32>, vector<16xi32>], vector<16xf32>,
      %add3A_233 = arith.constant 16 : i32
      %add3A_234 = vector.broadcast %add3A_233 : i32 to vector<16xi32>
      %add3A_235 = arith.addi %iota3A, %add3A_234 : vector<16xi32>
      %gather3A_236 = tpu.vector_load_idx %arg10[%add3A_235, %broadcast_in_dim3A_228] : memref<32x128xf32, #tpu.memory_space<vmem>>[vector<16xi32>, vector<16xi32>], vector<16xf32>,
      %gather3A_237 = tpu.vector_load_idx %arg14[%iota3A, %broadcast_in_dim3A_231] : memref<32x128xf32, #tpu.memory_space<vmem>>[vector<16xi32>, vector<16xi32>], vector<16xf32>,
      %add3A_238 = arith.constant 16 : i32
      %add3A_239 = vector.broadcast %add3A_238 : i32 to vector<16xi32>
      %add3A_240 = arith.addi %iota3A, %add3A_239 : vector<16xi32>
      %gather3A_241 = tpu.vector_load_idx %arg14[%add3A_240, %broadcast_in_dim3A_231] : memref<32x128xf32, #tpu.memory_space<vmem>>[vector<16xi32>, vector<16xi32>], vector<16xf32>,
      %mul3A_242 = arith.mulf %gather3A_232, %gather3A_237 : vector<16xf32>
      %mul3A_243 = arith.mulf %gather3A_236, %gather3A_241 : vector<16xf32>
      %add3A_244 = arith.addf %mul3A_242, %mul3A_243 : vector<16xf32>
      %swap3A_245 = arith.constant 1 : i32
      %swap3A_246 = arith.index_cast %swap3A_245 : i32 to index
      %swap3A_247 = arith.constant 0 : index
      %swap3A_248 = tpu.vector_load %arg17[%swap3A_246, %swap3A_247] {strides = array<i32>} : memref<16x17xf32, #tpu.memory_space<vmem>>, vector<16xf32>,
      tpu.vector_store %arg17[%swap3A_246, %swap3A_247], %add3A_244 {strides = array<i32>} : memref<16x17xf32, #tpu.memory_space<vmem>>, vector<16xf32>,
      %shift_right_arithmetic3A_249 = arith.constant 7 : i32
      %shift_right_arithmetic3A_250 = arith.shrsi %squeeze3A_95, %shift_right_arithmetic3A_249 : i32
      %mul3A_251 = arith.constant 128 : i32
      %mul3A_252 = arith.muli %shift_right_arithmetic3A_250, %mul3A_251 : i32
      %multiple_of3A_253 = tpu.assume_multiple %mul3A_252, 128 : i32
      %dma_start3A_254 = arith.constant 0 : i32
      %dma_start3A_255 = tpu.memref_slice %arg2[%dma_start3A_254, %multiple_of3A_253] : memref<32x1000001xf32, #tpu.memory_space<hbm>> -> memref<32x128xf32, #tpu.memory_space<hbm>>
      %dma_start3A_256 = arith.constant 0 : i32
      %dma_start3A_257 = tpu.memref_slice %arg2[%dma_start3A_256, %multiple_of3A_253] : memref<32x1000001xf32, #tpu.memory_space<hbm>> -> memref<32x128xf32, #tpu.memory_space<hbm>>
      tpu.enqueue_dma source(%dma_start3A_257 : memref<32x128xf32, #tpu.memory_space<hbm>>) target(%arg10 : memref<32x128xf32, #tpu.memory_space<vmem>>) target_semaphore(%arg20 : memref<!tpu.dma_semaphore, #tpu.memory_space<semaphore_mem>>)
      %shift_right_arithmetic3A_258 = arith.constant 7 : i32
      %shift_right_arithmetic3A_259 = arith.shrsi %squeeze3A_127, %shift_right_arithmetic3A_258 : i32
      %mul3A_260 = arith.constant 128 : i32
      %mul3A_261 = arith.muli %shift_right_arithmetic3A_259, %mul3A_260 : i32
      %multiple_of3A_262 = tpu.assume_multiple %mul3A_261, 128 : i32
      %dma_start3A_263 = arith.constant 0 : i32
      %dma_start3A_264 = tpu.memref_slice %arg3[%dma_start3A_263, %multiple_of3A_262] : memref<32x1000001xf32, #tpu.memory_space<hbm>> -> memref<32x128xf32, #tpu.memory_space<hbm>>
      %dma_start3A_265 = arith.constant 0 : i32
      %dma_start3A_266 = tpu.memref_slice %arg3[%dma_start3A_265, %multiple_of3A_262] : memref<32x1000001xf32, #tpu.memory_space<hbm>> -> memref<32x128xf32, #tpu.memory_space<hbm>>
      tpu.enqueue_dma source(%dma_start3A_266 : memref<32x128xf32, #tpu.memory_space<hbm>>) target(%arg14 : memref<32x128xf32, #tpu.memory_space<vmem>>) target_semaphore(%arg24 : memref<!tpu.dma_semaphore, #tpu.memory_space<semaphore_mem>>)
      %dma_wait3A_267 = arith.constant 0 : i32
      %dma_wait3A_268 = arith.constant 0 : i32
      %dma_wait3A_269 = tpu.memref_slice %arg2[%dma_wait3A_267, %dma_wait3A_268] : memref<32x1000001xf32, #tpu.memory_space<hbm>> -> memref<32x128xf32, #tpu.memory_space<hbm>>
      %dma_wait3A_270 = arith.constant 0 : i32
      %dma_wait3A_271 = arith.constant 0 : i32
      %dma_wait3A_272 = tpu.memref_slice %arg2[%dma_wait3A_270, %dma_wait3A_271] : memref<32x1000001xf32, #tpu.memory_space<hbm>> -> memref<32x128xf32, #tpu.memory_space<hbm>>
      tpu.wait_dma2 semaphore(%arg21 : memref<!tpu.dma_semaphore, #tpu.memory_space<semaphore_mem>>) src(%dma_wait3A_272 : memref<32x128xf32, #tpu.memory_space<hbm>>) dst(%arg11 : memref<32x128xf32, #tpu.memory_space<vmem>>)
      %dma_wait3A_273 = arith.constant 0 : i32
      %dma_wait3A_274 = arith.constant 0 : i32
      %dma_wait3A_275 = tpu.memref_slice %arg3[%dma_wait3A_273, %dma_wait3A_274] : memref<32x1000001xf32, #tpu.memory_space<hbm>> -> memref<32x128xf32, #tpu.memory_space<hbm>>
      %dma_wait3A_276 = arith.constant 0 : i32
      %dma_wait3A_277 = arith.constant 0 : i32
      %dma_wait3A_278 = tpu.memref_slice %arg3[%dma_wait3A_276, %dma_wait3A_277] : memref<32x1000001xf32, #tpu.memory_space<hbm>> -> memref<32x128xf32, #tpu.memory_space<hbm>>
      tpu.wait_dma2 semaphore(%arg25 : memref<!tpu.dma_semaphore, #tpu.memory_space<semaphore_mem>>) src(%dma_wait3A_278 : memref<32x128xf32, #tpu.memory_space<hbm>>) dst(%arg15 : memref<32x128xf32, #tpu.memory_space<vmem>>)
      %and3A_279 = arith.constant 127 : i32
      %and3A_280 = arith.andi %squeeze3A_89, %and3A_279 : i32
      %broadcast_in_dim3A_281 = vector.broadcast %and3A_280 : i32 to vector<16xi32>
      %and3A_282 = arith.constant 127 : i32
      %and3A_283 = arith.andi %squeeze3A_121, %and3A_282 : i32
      %broadcast_in_dim3A_284 = vector.broadcast %and3A_283 : i32 to vector<16xi32>
      %gather3A_285 = tpu.vector_load_idx %arg11[%iota3A, %broadcast_in_dim3A_281] : memref<32x128xf32, #tpu.memory_space<vmem>>[vector<16xi32>, vector<16xi32>], vector<16xf32>,
      %add3A_286 = arith.constant 16 : i32
      %add3A_287 = vector.broadcast %add3A_286 : i32 to vector<16xi32>
      %add3A_288 = arith.addi %iota3A, %add3A_287 : vector<16xi32>
      %gather3A_289 = tpu.vector_load_idx %arg11[%add3A_288, %broadcast_in_dim3A_281] : memref<32x128xf32, #tpu.memory_space<vmem>>[vector<16xi32>, vector<16xi32>], vector<16xf32>,
      %gather3A_290 = tpu.vector_load_idx %arg15[%iota3A, %broadcast_in_dim3A_284] : memref<32x128xf32, #tpu.memory_space<vmem>>[vector<16xi32>, vector<16xi32>], vector<16xf32>,
      %add3A_291 = arith.constant 16 : i32
      %add3A_292 = vector.broadcast %add3A_291 : i32 to vector<16xi32>
      %add3A_293 = arith.addi %iota3A, %add3A_292 : vector<16xi32>
      %gather3A_294 = tpu.vector_load_idx %arg15[%add3A_293, %broadcast_in_dim3A_284] : memref<32x128xf32, #tpu.memory_space<vmem>>[vector<16xi32>, vector<16xi32>], vector<16xf32>,
      %mul3A_295 = arith.mulf %gather3A_285, %gather3A_290 : vector<16xf32>
      %mul3A_296 = arith.mulf %gather3A_289, %gather3A_294 : vector<16xf32>
      %add3A_297 = arith.addf %mul3A_295, %mul3A_296 : vector<16xf32>
      %swap3A_298 = arith.constant 2 : i32
      %swap3A_299 = arith.index_cast %swap3A_298 : i32 to index
      %swap3A_300 = arith.constant 0 : index
      %swap3A_301 = tpu.vector_load %arg17[%swap3A_299, %swap3A_300] {strides = array<i32>} : memref<16x17xf32, #tpu.memory_space<vmem>>, vector<16xf32>,
      tpu.vector_store %arg17[%swap3A_299, %swap3A_300], %add3A_297 {strides = array<i32>} : memref<16x17xf32, #tpu.memory_space<vmem>>, vector<16xf32>,
      %shift_right_arithmetic3A_302 = arith.constant 7 : i32
      %shift_right_arithmetic3A_303 = arith.shrsi %squeeze3A_97, %shift_right_arithmetic3A_302 : i32
      %mul3A_304 = arith.constant 128 : i32
      %mul3A_305 = arith.muli %shift_right_arithmetic3A_303, %mul3A_304 : i32
      %multiple_of3A_306 = tpu.assume_multiple %mul3A_305, 128 : i32
      %dma_start3A_307 = arith.constant 0 : i32
      %dma_start3A_308 = tpu.memref_slice %arg2[%dma_start3A_307, %multiple_of3A_306] : memref<32x1000001xf32, #tpu.memory_space<hbm>> -> memref<32x128xf32, #tpu.memory_space<hbm>>
      %dma_start3A_309 = arith.constant 0 : i32
      %dma_start3A_310 = tpu.memref_slice %arg2[%dma_start3A_309, %multiple_of3A_306] : memref<32x1000001xf32, #tpu.memory_space<hbm>> -> memref<32x128xf32, #tpu.memory_space<hbm>>
      tpu.enqueue_dma source(%dma_start3A_310 : memref<32x128xf32, #tpu.memory_space<hbm>>) target(%arg11 : memref<32x128xf32, #tpu.memory_space<vmem>>) target_semaphore(%arg21 : memref<!tpu.dma_semaphore, #tpu.memory_space<semaphore_mem>>)
      %shift_right_arithmetic3A_311 = arith.constant 7 : i32
      %shift_right_arithmetic3A_312 = arith.shrsi %squeeze3A_129, %shift_right_arithmetic3A_311 : i32
      %mul3A_313 = arith.constant 128 : i32
      %mul3A_314 = arith.muli %shift_right_arithmetic3A_312, %mul3A_313 : i32
      %multiple_of3A_315 = tpu.assume_multiple %mul3A_314, 128 : i32
      %dma_start3A_316 = arith.constant 0 : i32
      %dma_start3A_317 = tpu.memref_slice %arg3[%dma_start3A_316, %multiple_of3A_315] : memref<32x1000001xf32, #tpu.memory_space<hbm>> -> memref<32x128xf32, #tpu.memory_space<hbm>>
      %dma_start3A_318 = arith.constant 0 : i32
      %dma_start3A_319 = tpu.memref_slice %arg3[%dma_start3A_318, %multiple_of3A_315] : memref<32x1000001xf32, #tpu.memory_space<hbm>> -> memref<32x128xf32, #tpu.memory_space<hbm>>
      tpu.enqueue_dma source(%dma_start3A_319 : memref<32x128xf32, #tpu.memory_space<hbm>>) target(%arg15 : memref<32x128xf32, #tpu.memory_space<vmem>>) target_semaphore(%arg25 : memref<!tpu.dma_semaphore, #tpu.memory_space<semaphore_mem>>)
      %dma_wait3A_320 = arith.constant 0 : i32
      %dma_wait3A_321 = arith.constant 0 : i32
      %dma_wait3A_322 = tpu.memref_slice %arg2[%dma_wait3A_320, %dma_wait3A_321] : memref<32x1000001xf32, #tpu.memory_space<hbm>> -> memref<32x128xf32, #tpu.memory_space<hbm>>
      %dma_wait3A_323 = arith.constant 0 : i32
      %dma_wait3A_324 = arith.constant 0 : i32
      %dma_wait3A_325 = tpu.memref_slice %arg2[%dma_wait3A_323, %dma_wait3A_324] : memref<32x1000001xf32, #tpu.memory_space<hbm>> -> memref<32x128xf32, #tpu.memory_space<hbm>>
      tpu.wait_dma2 semaphore(%arg22 : memref<!tpu.dma_semaphore, #tpu.memory_space<semaphore_mem>>) src(%dma_wait3A_325 : memref<32x128xf32, #tpu.memory_space<hbm>>) dst(%arg12 : memref<32x128xf32, #tpu.memory_space<vmem>>)
      %dma_wait3A_326 = arith.constant 0 : i32
      %dma_wait3A_327 = arith.constant 0 : i32
      %dma_wait3A_328 = tpu.memref_slice %arg3[%dma_wait3A_326, %dma_wait3A_327] : memref<32x1000001xf32, #tpu.memory_space<hbm>> -> memref<32x128xf32, #tpu.memory_space<hbm>>
      %dma_wait3A_329 = arith.constant 0 : i32
      %dma_wait3A_330 = arith.constant 0 : i32
      %dma_wait3A_331 = tpu.memref_slice %arg3[%dma_wait3A_329, %dma_wait3A_330] : memref<32x1000001xf32, #tpu.memory_space<hbm>> -> memref<32x128xf32, #tpu.memory_space<hbm>>
      tpu.wait_dma2 semaphore(%arg26 : memref<!tpu.dma_semaphore, #tpu.memory_space<semaphore_mem>>) src(%dma_wait3A_331 : memref<32x128xf32, #tpu.memory_space<hbm>>) dst(%arg16 : memref<32x128xf32, #tpu.memory_space<vmem>>)
      %and3A_332 = arith.constant 127 : i32
      %and3A_333 = arith.andi %squeeze3A_91, %and3A_332 : i32
      %broadcast_in_dim3A_334 = vector.broadcast %and3A_333 : i32 to vector<16xi32>
      %and3A_335 = arith.constant 127 : i32
      %and3A_336 = arith.andi %squeeze3A_123, %and3A_335 : i32
      %broadcast_in_dim3A_337 = vector.broadcast %and3A_336 : i32 to vector<16xi32>
      %gather3A_338 = tpu.vector_load_idx %arg12[%iota3A, %broadcast_in_dim3A_334] : memref<32x128xf32, #tpu.memory_space<vmem>>[vector<16xi32>, vector<16xi32>], vector<16xf32>,
      %add3A_339 = arith.constant 16 : i32
      %add3A_340 = vector.broadcast %add3A_339 : i32 to vector<16xi32>
      %add3A_341 = arith.addi %iota3A, %add3A_340 : vector<16xi32>
      %gather3A_342 = tpu.vector_load_idx %arg12[%add3A_341, %broadcast_in_dim3A_334] : memref<32x128xf32, #tpu.memory_space<vmem>>[vector<16xi32>, vector<16xi32>], vector<16xf32>,
      %gather3A_343 = tpu.vector_load_idx %arg16[%iota3A, %broadcast_in_dim3A_337] : memref<32x128xf32, #tpu.memory_space<vmem>>[vector<16xi32>, vector<16xi32>], vector<16xf32>,
      %add3A_344 = arith.constant 16 : i32
      %add3A_345 = vector.broadcast %add3A_344 : i32 to vector<16xi32>
      %add3A_346 = arith.addi %iota3A, %add3A_345 : vector<16xi32>
      %gather3A_347 = tpu.vector_load_idx %arg16[%add3A_346, %broadcast_in_dim3A_337] : memref<32x128xf32, #tpu.memory_space<vmem>>[vector<16xi32>, vector<16xi32>], vector<16xf32>,
      %mul3A_348 = arith.mulf %gather3A_338, %gather3A_343 : vector<16xf32>
      %mul3A_349 = arith.mulf %gather3A_342, %gather3A_347 : vector<16xf32>
      %add3A_350 = arith.addf %mul3A_348, %mul3A_349 : vector<16xf32>
      %swap3A_351 = arith.constant 3 : i32
      %swap3A_352 = arith.index_cast %swap3A_351 : i32 to index
      %swap3A_353 = arith.constant 0 : index
      %swap3A_354 = tpu.vector_load %arg17[%swap3A_352, %swap3A_353] {strides = array<i32>} : memref<16x17xf32, #tpu.memory_space<vmem>>, vector<16xf32>,
      tpu.vector_store %arg17[%swap3A_352, %swap3A_353], %add3A_350 {strides = array<i32>} : memref<16x17xf32, #tpu.memory_space<vmem>>, vector<16xf32>,
      %shift_right_arithmetic3A_355 = arith.constant 7 : i32
      %shift_right_arithmetic3A_356 = arith.shrsi %squeeze3A_99, %shift_right_arithmetic3A_355 : i32
      %mul3A_357 = arith.constant 128 : i32
      %mul3A_358 = arith.muli %shift_right_arithmetic3A_356, %mul3A_357 : i32
      %multiple_of3A_359 = tpu.assume_multiple %mul3A_358, 128 : i32
      %dma_start3A_360 = arith.constant 0 : i32
      %dma_start3A_361 = tpu.memref_slice %arg2[%dma_start3A_360, %multiple_of3A_359] : memref<32x1000001xf32, #tpu.memory_space<hbm>> -> memref<32x128xf32, #tpu.memory_space<hbm>>
      %dma_start3A_362 = arith.constant 0 : i32
      %dma_start3A_363 = tpu.memref_slice %arg2[%dma_start3A_362, %multiple_of3A_359] : memref<32x1000001xf32, #tpu.memory_space<hbm>> -> memref<32x128xf32, #tpu.memory_space<hbm>>
      tpu.enqueue_dma source(%dma_start3A_363 : memref<32x128xf32, #tpu.memory_space<hbm>>) target(%arg12 : memref<32x128xf32, #tpu.memory_space<vmem>>) target_semaphore(%arg22 : memref<!tpu.dma_semaphore, #tpu.memory_space<semaphore_mem>>)
      %shift_right_arithmetic3A_364 = arith.constant 7 : i32
      %shift_right_arithmetic3A_365 = arith.shrsi %squeeze3A_131, %shift_right_arithmetic3A_364 : i32
      %mul3A_366 = arith.constant 128 : i32
      %mul3A_367 = arith.muli %shift_right_arithmetic3A_365, %mul3A_366 : i32
      %multiple_of3A_368 = tpu.assume_multiple %mul3A_367, 128 : i32
      %dma_start3A_369 = arith.constant 0 : i32
      %dma_start3A_370 = tpu.memref_slice %arg3[%dma_start3A_369, %multiple_of3A_368] : memref<32x1000001xf32, #tpu.memory_space<hbm>> -> memref<32x128xf32, #tpu.memory_space<hbm>>
      %dma_start3A_371 = arith.constant 0 : i32
      %dma_start3A_372 = tpu.memref_slice %arg3[%dma_start3A_371, %multiple_of3A_368] : memref<32x1000001xf32, #tpu.memory_space<hbm>> -> memref<32x128xf32, #tpu.memory_space<hbm>>
      tpu.enqueue_dma source(%dma_start3A_372 : memref<32x128xf32, #tpu.memory_space<hbm>>) target(%arg16 : memref<32x128xf32, #tpu.memory_space<vmem>>) target_semaphore(%arg26 : memref<!tpu.dma_semaphore, #tpu.memory_space<semaphore_mem>>)
      %dma_wait3A_373 = arith.constant 0 : i32
      %dma_wait3A_374 = arith.constant 0 : i32
      %dma_wait3A_375 = tpu.memref_slice %arg2[%dma_wait3A_373, %dma_wait3A_374] : memref<32x1000001xf32, #tpu.memory_space<hbm>> -> memref<32x128xf32, #tpu.memory_space<hbm>>
      %dma_wait3A_376 = arith.constant 0 : i32
      %dma_wait3A_377 = arith.constant 0 : i32
      %dma_wait3A_378 = tpu.memref_slice %arg2[%dma_wait3A_376, %dma_wait3A_377] : memref<32x1000001xf32, #tpu.memory_space<hbm>> -> memref<32x128xf32, #tpu.memory_space<hbm>>
      tpu.wait_dma2 semaphore(%arg19 : memref<!tpu.dma_semaphore, #tpu.memory_space<semaphore_mem>>) src(%dma_wait3A_378 : memref<32x128xf32, #tpu.memory_space<hbm>>) dst(%arg9 : memref<32x128xf32, #tpu.memory_space<vmem>>)
      %dma_wait3A_379 = arith.constant 0 : i32
      %dma_wait3A_380 = arith.constant 0 : i32
      %dma_wait3A_381 = tpu.memref_slice %arg3[%dma_wait3A_379, %dma_wait3A_380] : memref<32x1000001xf32, #tpu.memory_space<hbm>> -> memref<32x128xf32, #tpu.memory_space<hbm>>
      %dma_wait3A_382 = arith.constant 0 : i32
      %dma_wait3A_383 = arith.constant 0 : i32
      %dma_wait3A_384 = tpu.memref_slice %arg3[%dma_wait3A_382, %dma_wait3A_383] : memref<32x1000001xf32, #tpu.memory_space<hbm>> -> memref<32x128xf32, #tpu.memory_space<hbm>>
      tpu.wait_dma2 semaphore(%arg23 : memref<!tpu.dma_semaphore, #tpu.memory_space<semaphore_mem>>) src(%dma_wait3A_384 : memref<32x128xf32, #tpu.memory_space<hbm>>) dst(%arg13 : memref<32x128xf32, #tpu.memory_space<vmem>>)
      %and3A_385 = arith.constant 127 : i32
      %and3A_386 = arith.andi %squeeze3A_93, %and3A_385 : i32
      %broadcast_in_dim3A_387 = vector.broadcast %and3A_386 : i32 to vector<16xi32>
      %and3A_388 = arith.constant 127 : i32
      %and3A_389 = arith.andi %squeeze3A_125, %and3A_388 : i32
      %broadcast_in_dim3A_390 = vector.broadcast %and3A_389 : i32 to vector<16xi32>
      %gather3A_391 = tpu.vector_load_idx %arg9[%iota3A, %broadcast_in_dim3A_387] : memref<32x128xf32, #tpu.memory_space<vmem>>[vector<16xi32>, vector<16xi32>], vector<16xf32>,
      %add3A_392 = arith.constant 16 : i32
      %add3A_393 = vector.broadcast %add3A_392 : i32 to vector<16xi32>
      %add3A_394 = arith.addi %iota3A, %add3A_393 : vector<16xi32>
      %gather3A_395 = tpu.vector_load_idx %arg9[%add3A_394, %broadcast_in_dim3A_387] : memref<32x128xf32, #tpu.memory_space<vmem>>[vector<16xi32>, vector<16xi32>], vector<16xf32>,
      %gather3A_396 = tpu.vector_load_idx %arg13[%iota3A, %broadcast_in_dim3A_390] : memref<32x128xf32, #tpu.memory_space<vmem>>[vector<16xi32>, vector<16xi32>], vector<16xf32>,
      %add3A_397 = arith.constant 16 : i32
      %add3A_398 = vector.broadcast %add3A_397 : i32 to vector<16xi32>
      %add3A_399 = arith.addi %iota3A, %add3A_398 : vector<16xi32>
      %gather3A_400 = tpu.vector_load_idx %arg13[%add3A_399, %broadcast_in_dim3A_390] : memref<32x128xf32, #tpu.memory_space<vmem>>[vector<16xi32>, vector<16xi32>], vector<16xf32>,
      %mul3A_401 = arith.mulf %gather3A_391, %gather3A_396 : vector<16xf32>
      %mul3A_402 = arith.mulf %gather3A_395, %gather3A_400 : vector<16xf32>
      %add3A_403 = arith.addf %mul3A_401, %mul3A_402 : vector<16xf32>
      %swap3A_404 = arith.constant 4 : i32
      %swap3A_405 = arith.index_cast %swap3A_404 : i32 to index
      %swap3A_406 = arith.constant 0 : index
      %swap3A_407 = tpu.vector_load %arg17[%swap3A_405, %swap3A_406] {strides = array<i32>} : memref<16x17xf32, #tpu.memory_space<vmem>>, vector<16xf32>,
      tpu.vector_store %arg17[%swap3A_405, %swap3A_406], %add3A_403 {strides = array<i32>} : memref<16x17xf32, #tpu.memory_space<vmem>>, vector<16xf32>,
      %shift_right_arithmetic3A_408 = arith.constant 7 : i32
      %shift_right_arithmetic3A_409 = arith.shrsi %squeeze3A_101, %shift_right_arithmetic3A_408 : i32
      %mul3A_410 = arith.constant 128 : i32
      %mul3A_411 = arith.muli %shift_right_arithmetic3A_409, %mul3A_410 : i32
      %multiple_of3A_412 = tpu.assume_multiple %mul3A_411, 128 : i32
      %dma_start3A_413 = arith.constant 0 : i32
      %dma_start3A_414 = tpu.memref_slice %arg2[%dma_start3A_413, %multiple_of3A_412] : memref<32x1000001xf32, #tpu.memory_space<hbm>> -> memref<32x128xf32, #tpu.memory_space<hbm>>
      %dma_start3A_415 = arith.constant 0 : i32
      %dma_start3A_416 = tpu.memref_slice %arg2[%dma_start3A_415, %multiple_of3A_412] : memref<32x1000001xf32, #tpu.memory_space<hbm>> -> memref<32x128xf32, #tpu.memory_space<hbm>>
      tpu.enqueue_dma source(%dma_start3A_416 : memref<32x128xf32, #tpu.memory_space<hbm>>) target(%arg9 : memref<32x128xf32, #tpu.memory_space<vmem>>) target_semaphore(%arg19 : memref<!tpu.dma_semaphore, #tpu.memory_space<semaphore_mem>>)
      %shift_right_arithmetic3A_417 = arith.constant 7 : i32
      %shift_right_arithmetic3A_418 = arith.shrsi %squeeze3A_133, %shift_right_arithmetic3A_417 : i32
      %mul3A_419 = arith.constant 128 : i32
      %mul3A_420 = arith.muli %shift_right_arithmetic3A_418, %mul3A_419 : i32
      %multiple_of3A_421 = tpu.assume_multiple %mul3A_420, 128 : i32
      %dma_start3A_422 = arith.constant 0 : i32
      %dma_start3A_423 = tpu.memref_slice %arg3[%dma_start3A_422, %multiple_of3A_421] : memref<32x1000001xf32, #tpu.memory_space<hbm>> -> memref<32x128xf32, #tpu.memory_space<hbm>>
      %dma_start3A_424 = arith.constant 0 : i32
      %dma_start3A_425 = tpu.memref_slice %arg3[%dma_start3A_424, %multiple_of3A_421] : memref<32x1000001xf32, #tpu.memory_space<hbm>> -> memref<32x128xf32, #tpu.memory_space<hbm>>
      tpu.enqueue_dma source(%dma_start3A_425 : memref<32x128xf32, #tpu.memory_space<hbm>>) target(%arg13 : memref<32x128xf32, #tpu.memory_space<vmem>>) target_semaphore(%arg23 : memref<!tpu.dma_semaphore, #tpu.memory_space<semaphore_mem>>)
      %dma_wait3A_426 = arith.constant 0 : i32
      %dma_wait3A_427 = arith.constant 0 : i32
      %dma_wait3A_428 = tpu.memref_slice %arg2[%dma_wait3A_426, %dma_wait3A_427] : memref<32x1000001xf32, #tpu.memory_space<hbm>> -> memref<32x128xf32, #tpu.memory_space<hbm>>
      %dma_wait3A_429 = arith.constant 0 : i32
      %dma_wait3A_430 = arith.constant 0 : i32
      %dma_wait3A_431 = tpu.memref_slice %arg2[%dma_wait3A_429, %dma_wait3A_430] : memref<32x1000001xf32, #tpu.memory_space<hbm>> -> memref<32x128xf32, #tpu.memory_space<hbm>>
      tpu.wait_dma2 semaphore(%arg20 : memref<!tpu.dma_semaphore, #tpu.memory_space<semaphore_mem>>) src(%dma_wait3A_431 : memref<32x128xf32, #tpu.memory_space<hbm>>) dst(%arg10 : memref<32x128xf32, #tpu.memory_space<vmem>>)
      %dma_wait3A_432 = arith.constant 0 : i32
      %dma_wait3A_433 = arith.constant 0 : i32
      %dma_wait3A_434 = tpu.memref_slice %arg3[%dma_wait3A_432, %dma_wait3A_433] : memref<32x1000001xf32, #tpu.memory_space<hbm>> -> memref<32x128xf32, #tpu.memory_space<hbm>>
      %dma_wait3A_435 = arith.constant 0 : i32
      %dma_wait3A_436 = arith.constant 0 : i32
      %dma_wait3A_437 = tpu.memref_slice %arg3[%dma_wait3A_435, %dma_wait3A_436] : memref<32x1000001xf32, #tpu.memory_space<hbm>> -> memref<32x128xf32, #tpu.memory_space<hbm>>
      tpu.wait_dma2 semaphore(%arg24 : memref<!tpu.dma_semaphore, #tpu.memory_space<semaphore_mem>>) src(%dma_wait3A_437 : memref<32x128xf32, #tpu.memory_space<hbm>>) dst(%arg14 : memref<32x128xf32, #tpu.memory_space<vmem>>)
      %and3A_438 = arith.constant 127 : i32
      %and3A_439 = arith.andi %squeeze3A_95, %and3A_438 : i32
      %broadcast_in_dim3A_440 = vector.broadcast %and3A_439 : i32 to vector<16xi32>
      %and3A_441 = arith.constant 127 : i32
      %and3A_442 = arith.andi %squeeze3A_127, %and3A_441 : i32
      %broadcast_in_dim3A_443 = vector.broadcast %and3A_442 : i32 to vector<16xi32>
      %gather3A_444 = tpu.vector_load_idx %arg10[%iota3A, %broadcast_in_dim3A_440] : memref<32x128xf32, #tpu.memory_space<vmem>>[vector<16xi32>, vector<16xi32>], vector<16xf32>,
      %add3A_445 = arith.constant 16 : i32
      %add3A_446 = vector.broadcast %add3A_445 : i32 to vector<16xi32>
      %add3A_447 = arith.addi %iota3A, %add3A_446 : vector<16xi32>
      %gather3A_448 = tpu.vector_load_idx %arg10[%add3A_447, %broadcast_in_dim3A_440] : memref<32x128xf32, #tpu.memory_space<vmem>>[vector<16xi32>, vector<16xi32>], vector<16xf32>,
      %gather3A_449 = tpu.vector_load_idx %arg14[%iota3A, %broadcast_in_dim3A_443] : memref<32x128xf32, #tpu.memory_space<vmem>>[vector<16xi32>, vector<16xi32>], vector<16xf32>,
      %add3A_450 = arith.constant 16 : i32
      %add3A_451 = vector.broadcast %add3A_450 : i32 to vector<16xi32>
      %add3A_452 = arith.addi %iota3A, %add3A_451 : vector<16xi32>
      %gather3A_453 = tpu.vector_load_idx %arg14[%add3A_452, %broadcast_in_dim3A_443] : memref<32x128xf32, #tpu.memory_space<vmem>>[vector<16xi32>, vector<16xi32>], vector<16xf32>,
      %mul3A_454 = arith.mulf %gather3A_444, %gather3A_449 : vector<16xf32>
      %mul3A_455 = arith.mulf %gather3A_448, %gather3A_453 : vector<16xf32>
      %add3A_456 = arith.addf %mul3A_454, %mul3A_455 : vector<16xf32>
      %swap3A_457 = arith.constant 5 : i32
      %swap3A_458 = arith.index_cast %swap3A_457 : i32 to index
      %swap3A_459 = arith.constant 0 : index
      %swap3A_460 = tpu.vector_load %arg17[%swap3A_458, %swap3A_459] {strides = array<i32>} : memref<16x17xf32, #tpu.memory_space<vmem>>, vector<16xf32>,
      tpu.vector_store %arg17[%swap3A_458, %swap3A_459], %add3A_456 {strides = array<i32>} : memref<16x17xf32, #tpu.memory_space<vmem>>, vector<16xf32>,
      %shift_right_arithmetic3A_461 = arith.constant 7 : i32
      %shift_right_arithmetic3A_462 = arith.shrsi %squeeze3A_103, %shift_right_arithmetic3A_461 : i32
      %mul3A_463 = arith.constant 128 : i32
      %mul3A_464 = arith.muli %shift_right_arithmetic3A_462, %mul3A_463 : i32
      %multiple_of3A_465 = tpu.assume_multiple %mul3A_464, 128 : i32
      %dma_start3A_466 = arith.constant 0 : i32
      %dma_start3A_467 = tpu.memref_slice %arg2[%dma_start3A_466, %multiple_of3A_465] : memref<32x1000001xf32, #tpu.memory_space<hbm>> -> memref<32x128xf32, #tpu.memory_space<hbm>>
      %dma_start3A_468 = arith.constant 0 : i32
      %dma_start3A_469 = tpu.memref_slice %arg2[%dma_start3A_468, %multiple_of3A_465] : memref<32x1000001xf32, #tpu.memory_space<hbm>> -> memref<32x128xf32, #tpu.memory_space<hbm>>
      tpu.enqueue_dma source(%dma_start3A_469 : memref<32x128xf32, #tpu.memory_space<hbm>>) target(%arg10 : memref<32x128xf32, #tpu.memory_space<vmem>>) target_semaphore(%arg20 : memref<!tpu.dma_semaphore, #tpu.memory_space<semaphore_mem>>)
      %shift_right_arithmetic3A_470 = arith.constant 7 : i32
      %shift_right_arithmetic3A_471 = arith.shrsi %squeeze3A_135, %shift_right_arithmetic3A_470 : i32
      %mul3A_472 = arith.constant 128 : i32
      %mul3A_473 = arith.muli %shift_right_arithmetic3A_471, %mul3A_472 : i32
      %multiple_of3A_474 = tpu.assume_multiple %mul3A_473, 128 : i32
      %dma_start3A_475 = arith.constant 0 : i32
      %dma_start3A_476 = tpu.memref_slice %arg3[%dma_start3A_475, %multiple_of3A_474] : memref<32x1000001xf32, #tpu.memory_space<hbm>> -> memref<32x128xf32, #tpu.memory_space<hbm>>
      %dma_start3A_477 = arith.constant 0 : i32
      %dma_start3A_478 = tpu.memref_slice %arg3[%dma_start3A_477, %multiple_of3A_474] : memref<32x1000001xf32, #tpu.memory_space<hbm>> -> memref<32x128xf32, #tpu.memory_space<hbm>>
      tpu.enqueue_dma source(%dma_start3A_478 : memref<32x128xf32, #tpu.memory_space<hbm>>) target(%arg14 : memref<32x128xf32, #tpu.memory_space<vmem>>) target_semaphore(%arg24 : memref<!tpu.dma_semaphore, #tpu.memory_space<semaphore_mem>>)
      %dma_wait3A_479 = arith.constant 0 : i32
      %dma_wait3A_480 = arith.constant 0 : i32
      %dma_wait3A_481 = tpu.memref_slice %arg2[%dma_wait3A_479, %dma_wait3A_480] : memref<32x1000001xf32, #tpu.memory_space<hbm>> -> memref<32x128xf32, #tpu.memory_space<hbm>>
      %dma_wait3A_482 = arith.constant 0 : i32
      %dma_wait3A_483 = arith.constant 0 : i32
      %dma_wait3A_484 = tpu.memref_slice %arg2[%dma_wait3A_482, %dma_wait3A_483] : memref<32x1000001xf32, #tpu.memory_space<hbm>> -> memref<32x128xf32, #tpu.memory_space<hbm>>
      tpu.wait_dma2 semaphore(%arg21 : memref<!tpu.dma_semaphore, #tpu.memory_space<semaphore_mem>>) src(%dma_wait3A_484 : memref<32x128xf32, #tpu.memory_space<hbm>>) dst(%arg11 : memref<32x128xf32, #tpu.memory_space<vmem>>)
      %dma_wait3A_485 = arith.constant 0 : i32
      %dma_wait3A_486 = arith.constant 0 : i32
      %dma_wait3A_487 = tpu.memref_slice %arg3[%dma_wait3A_485, %dma_wait3A_486] : memref<32x1000001xf32, #tpu.memory_space<hbm>> -> memref<32x128xf32, #tpu.memory_space<hbm>>
      %dma_wait3A_488 = arith.constant 0 : i32
      %dma_wait3A_489 = arith.constant 0 : i32
      %dma_wait3A_490 = tpu.memref_slice %arg3[%dma_wait3A_488, %dma_wait3A_489] : memref<32x1000001xf32, #tpu.memory_space<hbm>> -> memref<32x128xf32, #tpu.memory_space<hbm>>
      tpu.wait_dma2 semaphore(%arg25 : memref<!tpu.dma_semaphore, #tpu.memory_space<semaphore_mem>>) src(%dma_wait3A_490 : memref<32x128xf32, #tpu.memory_space<hbm>>) dst(%arg15 : memref<32x128xf32, #tpu.memory_space<vmem>>)
      %and3A_491 = arith.constant 127 : i32
      %and3A_492 = arith.andi %squeeze3A_97, %and3A_491 : i32
      %broadcast_in_dim3A_493 = vector.broadcast %and3A_492 : i32 to vector<16xi32>
      %and3A_494 = arith.constant 127 : i32
      %and3A_495 = arith.andi %squeeze3A_129, %and3A_494 : i32
      %broadcast_in_dim3A_496 = vector.broadcast %and3A_495 : i32 to vector<16xi32>
      %gather3A_497 = tpu.vector_load_idx %arg11[%iota3A, %broadcast_in_dim3A_493] : memref<32x128xf32, #tpu.memory_space<vmem>>[vector<16xi32>, vector<16xi32>], vector<16xf32>,
      %add3A_498 = arith.constant 16 : i32
      %add3A_499 = vector.broadcast %add3A_498 : i32 to vector<16xi32>
      %add3A_500 = arith.addi %iota3A, %add3A_499 : vector<16xi32>
      %gather3A_501 = tpu.vector_load_idx %arg11[%add3A_500, %broadcast_in_dim3A_493] : memref<32x128xf32, #tpu.memory_space<vmem>>[vector<16xi32>, vector<16xi32>], vector<16xf32>,
      %gather3A_502 = tpu.vector_load_idx %arg15[%iota3A, %broadcast_in_dim3A_496] : memref<32x128xf32, #tpu.memory_space<vmem>>[vector<16xi32>, vector<16xi32>], vector<16xf32>,
      %add3A_503 = arith.constant 16 : i32
      %add3A_504 = vector.broadcast %add3A_503 : i32 to vector<16xi32>
      %add3A_505 = arith.addi %iota3A, %add3A_504 : vector<16xi32>
      %gather3A_506 = tpu.vector_load_idx %arg15[%add3A_505, %broadcast_in_dim3A_496] : memref<32x128xf32, #tpu.memory_space<vmem>>[vector<16xi32>, vector<16xi32>], vector<16xf32>,
      %mul3A_507 = arith.mulf %gather3A_497, %gather3A_502 : vector<16xf32>
      %mul3A_508 = arith.mulf %gather3A_501, %gather3A_506 : vector<16xf32>
      %add3A_509 = arith.addf %mul3A_507, %mul3A_508 : vector<16xf32>
      %swap3A_510 = arith.constant 6 : i32
      %swap3A_511 = arith.index_cast %swap3A_510 : i32 to index
      %swap3A_512 = arith.constant 0 : index
      %swap3A_513 = tpu.vector_load %arg17[%swap3A_511, %swap3A_512] {strides = array<i32>} : memref<16x17xf32, #tpu.memory_space<vmem>>, vector<16xf32>,
      tpu.vector_store %arg17[%swap3A_511, %swap3A_512], %add3A_509 {strides = array<i32>} : memref<16x17xf32, #tpu.memory_space<vmem>>, vector<16xf32>,
      %shift_right_arithmetic3A_514 = arith.constant 7 : i32
      %shift_right_arithmetic3A_515 = arith.shrsi %squeeze3A_105, %shift_right_arithmetic3A_514 : i32
      %mul3A_516 = arith.constant 128 : i32
      %mul3A_517 = arith.muli %shift_right_arithmetic3A_515, %mul3A_516 : i32
      %multiple_of3A_518 = tpu.assume_multiple %mul3A_517, 128 : i32
      %dma_start3A_519 = arith.constant 0 : i32
      %dma_start3A_520 = tpu.memref_slice %arg2[%dma_start3A_519, %multiple_of3A_518] : memref<32x1000001xf32, #tpu.memory_space<hbm>> -> memref<32x128xf32, #tpu.memory_space<hbm>>
      %dma_start3A_521 = arith.constant 0 : i32
      %dma_start3A_522 = tpu.memref_slice %arg2[%dma_start3A_521, %multiple_of3A_518] : memref<32x1000001xf32, #tpu.memory_space<hbm>> -> memref<32x128xf32, #tpu.memory_space<hbm>>
      tpu.enqueue_dma source(%dma_start3A_522 : memref<32x128xf32, #tpu.memory_space<hbm>>) target(%arg11 : memref<32x128xf32, #tpu.memory_space<vmem>>) target_semaphore(%arg21 : memref<!tpu.dma_semaphore, #tpu.memory_space<semaphore_mem>>)
      %shift_right_arithmetic3A_523 = arith.constant 7 : i32
      %shift_right_arithmetic3A_524 = arith.shrsi %squeeze3A_137, %shift_right_arithmetic3A_523 : i32
      %mul3A_525 = arith.constant 128 : i32
      %mul3A_526 = arith.muli %shift_right_arithmetic3A_524, %mul3A_525 : i32
      %multiple_of3A_527 = tpu.assume_multiple %mul3A_526, 128 : i32
      %dma_start3A_528 = arith.constant 0 : i32
      %dma_start3A_529 = tpu.memref_slice %arg3[%dma_start3A_528, %multiple_of3A_527] : memref<32x1000001xf32, #tpu.memory_space<hbm>> -> memref<32x128xf32, #tpu.memory_space<hbm>>
      %dma_start3A_530 = arith.constant 0 : i32
      %dma_start3A_531 = tpu.memref_slice %arg3[%dma_start3A_530, %multiple_of3A_527] : memref<32x1000001xf32, #tpu.memory_space<hbm>> -> memref<32x128xf32, #tpu.memory_space<hbm>>
      tpu.enqueue_dma source(%dma_start3A_531 : memref<32x128xf32, #tpu.memory_space<hbm>>) target(%arg15 : memref<32x128xf32, #tpu.memory_space<vmem>>) target_semaphore(%arg25 : memref<!tpu.dma_semaphore, #tpu.memory_space<semaphore_mem>>)
      %dma_wait3A_532 = arith.constant 0 : i32
      %dma_wait3A_533 = arith.constant 0 : i32
      %dma_wait3A_534 = tpu.memref_slice %arg2[%dma_wait3A_532, %dma_wait3A_533] : memref<32x1000001xf32, #tpu.memory_space<hbm>> -> memref<32x128xf32, #tpu.memory_space<hbm>>
      %dma_wait3A_535 = arith.constant 0 : i32
      %dma_wait3A_536 = arith.constant 0 : i32
      %dma_wait3A_537 = tpu.memref_slice %arg2[%dma_wait3A_535, %dma_wait3A_536] : memref<32x1000001xf32, #tpu.memory_space<hbm>> -> memref<32x128xf32, #tpu.memory_space<hbm>>
      tpu.wait_dma2 semaphore(%arg22 : memref<!tpu.dma_semaphore, #tpu.memory_space<semaphore_mem>>) src(%dma_wait3A_537 : memref<32x128xf32, #tpu.memory_space<hbm>>) dst(%arg12 : memref<32x128xf32, #tpu.memory_space<vmem>>)
      %dma_wait3A_538 = arith.constant 0 : i32
      %dma_wait3A_539 = arith.constant 0 : i32
      %dma_wait3A_540 = tpu.memref_slice %arg3[%dma_wait3A_538, %dma_wait3A_539] : memref<32x1000001xf32, #tpu.memory_space<hbm>> -> memref<32x128xf32, #tpu.memory_space<hbm>>
      %dma_wait3A_541 = arith.constant 0 : i32
      %dma_wait3A_542 = arith.constant 0 : i32
      %dma_wait3A_543 = tpu.memref_slice %arg3[%dma_wait3A_541, %dma_wait3A_542] : memref<32x1000001xf32, #tpu.memory_space<hbm>> -> memref<32x128xf32, #tpu.memory_space<hbm>>
      tpu.wait_dma2 semaphore(%arg26 : memref<!tpu.dma_semaphore, #tpu.memory_space<semaphore_mem>>) src(%dma_wait3A_543 : memref<32x128xf32, #tpu.memory_space<hbm>>) dst(%arg16 : memref<32x128xf32, #tpu.memory_space<vmem>>)
      %and3A_544 = arith.constant 127 : i32
      %and3A_545 = arith.andi %squeeze3A_99, %and3A_544 : i32
      %broadcast_in_dim3A_546 = vector.broadcast %and3A_545 : i32 to vector<16xi32>
      %and3A_547 = arith.constant 127 : i32
      %and3A_548 = arith.andi %squeeze3A_131, %and3A_547 : i32
      %broadcast_in_dim3A_549 = vector.broadcast %and3A_548 : i32 to vector<16xi32>
      %gather3A_550 = tpu.vector_load_idx %arg12[%iota3A, %broadcast_in_dim3A_546] : memref<32x128xf32, #tpu.memory_space<vmem>>[vector<16xi32>, vector<16xi32>], vector<16xf32>,
      %add3A_551 = arith.constant 16 : i32
      %add3A_552 = vector.broadcast %add3A_551 : i32 to vector<16xi32>
      %add3A_553 = arith.addi %iota3A, %add3A_552 : vector<16xi32>
      %gather3A_554 = tpu.vector_load_idx %arg12[%add3A_553, %broadcast_in_dim3A_546] : memref<32x128xf32, #tpu.memory_space<vmem>>[vector<16xi32>, vector<16xi32>], vector<16xf32>,
      %gather3A_555 = tpu.vector_load_idx %arg16[%iota3A, %broadcast_in_dim3A_549] : memref<32x128xf32, #tpu.memory_space<vmem>>[vector<16xi32>, vector<16xi32>], vector<16xf32>,
      %add3A_556 = arith.constant 16 : i32
      %add3A_557 = vector.broadcast %add3A_556 : i32 to vector<16xi32>
      %add3A_558 = arith.addi %iota3A, %add3A_557 : vector<16xi32>
      %gather3A_559 = tpu.vector_load_idx %arg16[%add3A_558, %broadcast_in_dim3A_549] : memref<32x128xf32, #tpu.memory_space<vmem>>[vector<16xi32>, vector<16xi32>], vector<16xf32>,
      %mul3A_560 = arith.mulf %gather3A_550, %gather3A_555 : vector<16xf32>
      %mul3A_561 = arith.mulf %gather3A_554, %gather3A_559 : vector<16xf32>
      %add3A_562 = arith.addf %mul3A_560, %mul3A_561 : vector<16xf32>
      %swap3A_563 = arith.constant 7 : i32
      %swap3A_564 = arith.index_cast %swap3A_563 : i32 to index
      %swap3A_565 = arith.constant 0 : index
      %swap3A_566 = tpu.vector_load %arg17[%swap3A_564, %swap3A_565] {strides = array<i32>} : memref<16x17xf32, #tpu.memory_space<vmem>>, vector<16xf32>,
      tpu.vector_store %arg17[%swap3A_564, %swap3A_565], %add3A_562 {strides = array<i32>} : memref<16x17xf32, #tpu.memory_space<vmem>>, vector<16xf32>,
      %shift_right_arithmetic3A_567 = arith.constant 7 : i32
      %shift_right_arithmetic3A_568 = arith.shrsi %squeeze3A_107, %shift_right_arithmetic3A_567 : i32
      %mul3A_569 = arith.constant 128 : i32
      %mul3A_570 = arith.muli %shift_right_arithmetic3A_568, %mul3A_569 : i32
      %multiple_of3A_571 = tpu.assume_multiple %mul3A_570, 128 : i32
      %dma_start3A_572 = arith.constant 0 : i32
      %dma_start3A_573 = tpu.memref_slice %arg2[%dma_start3A_572, %multiple_of3A_571] : memref<32x1000001xf32, #tpu.memory_space<hbm>> -> memref<32x128xf32, #tpu.memory_space<hbm>>
      %dma_start3A_574 = arith.constant 0 : i32
      %dma_start3A_575 = tpu.memref_slice %arg2[%dma_start3A_574, %multiple_of3A_571] : memref<32x1000001xf32, #tpu.memory_space<hbm>> -> memref<32x128xf32, #tpu.memory_space<hbm>>
      tpu.enqueue_dma source(%dma_start3A_575 : memref<32x128xf32, #tpu.memory_space<hbm>>) target(%arg12 : memref<32x128xf32, #tpu.memory_space<vmem>>) target_semaphore(%arg22 : memref<!tpu.dma_semaphore, #tpu.memory_space<semaphore_mem>>)
      %shift_right_arithmetic3A_576 = arith.constant 7 : i32
      %shift_right_arithmetic3A_577 = arith.shrsi %squeeze3A_139, %shift_right_arithmetic3A_576 : i32
      %mul3A_578 = arith.constant 128 : i32
      %mul3A_579 = arith.muli %shift_right_arithmetic3A_577, %mul3A_578 : i32
      %multiple_of3A_580 = tpu.assume_multiple %mul3A_579, 128 : i32
      %dma_start3A_581 = arith.constant 0 : i32
      %dma_start3A_582 = tpu.memref_slice %arg3[%dma_start3A_581, %multiple_of3A_580] : memref<32x1000001xf32, #tpu.memory_space<hbm>> -> memref<32x128xf32, #tpu.memory_space<hbm>>
      %dma_start3A_583 = arith.constant 0 : i32
      %dma_start3A_584 = tpu.memref_slice %arg3[%dma_start3A_583, %multiple_of3A_580] : memref<32x1000001xf32, #tpu.memory_space<hbm>> -> memref<32x128xf32, #tpu.memory_space<hbm>>
      tpu.enqueue_dma source(%dma_start3A_584 : memref<32x128xf32, #tpu.memory_space<hbm>>) target(%arg16 : memref<32x128xf32, #tpu.memory_space<vmem>>) target_semaphore(%arg26 : memref<!tpu.dma_semaphore, #tpu.memory_space<semaphore_mem>>)
      %dma_wait3A_585 = arith.constant 0 : i32
      %dma_wait3A_586 = arith.constant 0 : i32
      %dma_wait3A_587 = tpu.memref_slice %arg2[%dma_wait3A_585, %dma_wait3A_586] : memref<32x1000001xf32, #tpu.memory_space<hbm>> -> memref<32x128xf32, #tpu.memory_space<hbm>>
      %dma_wait3A_588 = arith.constant 0 : i32
      %dma_wait3A_589 = arith.constant 0 : i32
      %dma_wait3A_590 = tpu.memref_slice %arg2[%dma_wait3A_588, %dma_wait3A_589] : memref<32x1000001xf32, #tpu.memory_space<hbm>> -> memref<32x128xf32, #tpu.memory_space<hbm>>
      tpu.wait_dma2 semaphore(%arg19 : memref<!tpu.dma_semaphore, #tpu.memory_space<semaphore_mem>>) src(%dma_wait3A_590 : memref<32x128xf32, #tpu.memory_space<hbm>>) dst(%arg9 : memref<32x128xf32, #tpu.memory_space<vmem>>)
      %dma_wait3A_591 = arith.constant 0 : i32
      %dma_wait3A_592 = arith.constant 0 : i32
      %dma_wait3A_593 = tpu.memref_slice %arg3[%dma_wait3A_591, %dma_wait3A_592] : memref<32x1000001xf32, #tpu.memory_space<hbm>> -> memref<32x128xf32, #tpu.memory_space<hbm>>
      %dma_wait3A_594 = arith.constant 0 : i32
      %dma_wait3A_595 = arith.constant 0 : i32
      %dma_wait3A_596 = tpu.memref_slice %arg3[%dma_wait3A_594, %dma_wait3A_595] : memref<32x1000001xf32, #tpu.memory_space<hbm>> -> memref<32x128xf32, #tpu.memory_space<hbm>>
      tpu.wait_dma2 semaphore(%arg23 : memref<!tpu.dma_semaphore, #tpu.memory_space<semaphore_mem>>) src(%dma_wait3A_596 : memref<32x128xf32, #tpu.memory_space<hbm>>) dst(%arg13 : memref<32x128xf32, #tpu.memory_space<vmem>>)
      %and3A_597 = arith.constant 127 : i32
      %and3A_598 = arith.andi %squeeze3A_101, %and3A_597 : i32
      %broadcast_in_dim3A_599 = vector.broadcast %and3A_598 : i32 to vector<16xi32>
      %and3A_600 = arith.constant 127 : i32
      %and3A_601 = arith.andi %squeeze3A_133, %and3A_600 : i32
      %broadcast_in_dim3A_602 = vector.broadcast %and3A_601 : i32 to vector<16xi32>
      %gather3A_603 = tpu.vector_load_idx %arg9[%iota3A, %broadcast_in_dim3A_599] : memref<32x128xf32, #tpu.memory_space<vmem>>[vector<16xi32>, vector<16xi32>], vector<16xf32>,
      %add3A_604 = arith.constant 16 : i32
      %add3A_605 = vector.broadcast %add3A_604 : i32 to vector<16xi32>
      %add3A_606 = arith.addi %iota3A, %add3A_605 : vector<16xi32>
      %gather3A_607 = tpu.vector_load_idx %arg9[%add3A_606, %broadcast_in_dim3A_599] : memref<32x128xf32, #tpu.memory_space<vmem>>[vector<16xi32>, vector<16xi32>], vector<16xf32>,
      %gather3A_608 = tpu.vector_load_idx %arg13[%iota3A, %broadcast_in_dim3A_602] : memref<32x128xf32, #tpu.memory_space<vmem>>[vector<16xi32>, vector<16xi32>], vector<16xf32>,
      %add3A_609 = arith.constant 16 : i32
      %add3A_610 = vector.broadcast %add3A_609 : i32 to vector<16xi32>
      %add3A_611 = arith.addi %iota3A, %add3A_610 : vector<16xi32>
      %gather3A_612 = tpu.vector_load_idx %arg13[%add3A_611, %broadcast_in_dim3A_602] : memref<32x128xf32, #tpu.memory_space<vmem>>[vector<16xi32>, vector<16xi32>], vector<16xf32>,
      %mul3A_613 = arith.mulf %gather3A_603, %gather3A_608 : vector<16xf32>
      %mul3A_614 = arith.mulf %gather3A_607, %gather3A_612 : vector<16xf32>
      %add3A_615 = arith.addf %mul3A_613, %mul3A_614 : vector<16xf32>
      %swap3A_616 = arith.constant 8 : i32
      %swap3A_617 = arith.index_cast %swap3A_616 : i32 to index
      %swap3A_618 = arith.constant 0 : index
      %swap3A_619 = tpu.vector_load %arg17[%swap3A_617, %swap3A_618] {strides = array<i32>} : memref<16x17xf32, #tpu.memory_space<vmem>>, vector<16xf32>,
      tpu.vector_store %arg17[%swap3A_617, %swap3A_618], %add3A_615 {strides = array<i32>} : memref<16x17xf32, #tpu.memory_space<vmem>>, vector<16xf32>,
      %shift_right_arithmetic3A_620 = arith.constant 7 : i32
      %shift_right_arithmetic3A_621 = arith.shrsi %squeeze3A_109, %shift_right_arithmetic3A_620 : i32
      %mul3A_622 = arith.constant 128 : i32
      %mul3A_623 = arith.muli %shift_right_arithmetic3A_621, %mul3A_622 : i32
      %multiple_of3A_624 = tpu.assume_multiple %mul3A_623, 128 : i32
      %dma_start3A_625 = arith.constant 0 : i32
      %dma_start3A_626 = tpu.memref_slice %arg2[%dma_start3A_625, %multiple_of3A_624] : memref<32x1000001xf32, #tpu.memory_space<hbm>> -> memref<32x128xf32, #tpu.memory_space<hbm>>
      %dma_start3A_627 = arith.constant 0 : i32
      %dma_start3A_628 = tpu.memref_slice %arg2[%dma_start3A_627, %multiple_of3A_624] : memref<32x1000001xf32, #tpu.memory_space<hbm>> -> memref<32x128xf32, #tpu.memory_space<hbm>>
      tpu.enqueue_dma source(%dma_start3A_628 : memref<32x128xf32, #tpu.memory_space<hbm>>) target(%arg9 : memref<32x128xf32, #tpu.memory_space<vmem>>) target_semaphore(%arg19 : memref<!tpu.dma_semaphore, #tpu.memory_space<semaphore_mem>>)
      %shift_right_arithmetic3A_629 = arith.constant 7 : i32
      %shift_right_arithmetic3A_630 = arith.shrsi %squeeze3A_141, %shift_right_arithmetic3A_629 : i32
      %mul3A_631 = arith.constant 128 : i32
      %mul3A_632 = arith.muli %shift_right_arithmetic3A_630, %mul3A_631 : i32
      %multiple_of3A_633 = tpu.assume_multiple %mul3A_632, 128 : i32
      %dma_start3A_634 = arith.constant 0 : i32
      %dma_start3A_635 = tpu.memref_slice %arg3[%dma_start3A_634, %multiple_of3A_633] : memref<32x1000001xf32, #tpu.memory_space<hbm>> -> memref<32x128xf32, #tpu.memory_space<hbm>>
      %dma_start3A_636 = arith.constant 0 : i32
      %dma_start3A_637 = tpu.memref_slice %arg3[%dma_start3A_636, %multiple_of3A_633] : memref<32x1000001xf32, #tpu.memory_space<hbm>> -> memref<32x128xf32, #tpu.memory_space<hbm>>
      tpu.enqueue_dma source(%dma_start3A_637 : memref<32x128xf32, #tpu.memory_space<hbm>>) target(%arg13 : memref<32x128xf32, #tpu.memory_space<vmem>>) target_semaphore(%arg23 : memref<!tpu.dma_semaphore, #tpu.memory_space<semaphore_mem>>)
      %dma_wait3A_638 = arith.constant 0 : i32
      %dma_wait3A_639 = arith.constant 0 : i32
      %dma_wait3A_640 = tpu.memref_slice %arg2[%dma_wait3A_638, %dma_wait3A_639] : memref<32x1000001xf32, #tpu.memory_space<hbm>> -> memref<32x128xf32, #tpu.memory_space<hbm>>
      %dma_wait3A_641 = arith.constant 0 : i32
      %dma_wait3A_642 = arith.constant 0 : i32
      %dma_wait3A_643 = tpu.memref_slice %arg2[%dma_wait3A_641, %dma_wait3A_642] : memref<32x1000001xf32, #tpu.memory_space<hbm>> -> memref<32x128xf32, #tpu.memory_space<hbm>>
      tpu.wait_dma2 semaphore(%arg20 : memref<!tpu.dma_semaphore, #tpu.memory_space<semaphore_mem>>) src(%dma_wait3A_643 : memref<32x128xf32, #tpu.memory_space<hbm>>) dst(%arg10 : memref<32x128xf32, #tpu.memory_space<vmem>>)
      %dma_wait3A_644 = arith.constant 0 : i32
      %dma_wait3A_645 = arith.constant 0 : i32
      %dma_wait3A_646 = tpu.memref_slice %arg3[%dma_wait3A_644, %dma_wait3A_645] : memref<32x1000001xf32, #tpu.memory_space<hbm>> -> memref<32x128xf32, #tpu.memory_space<hbm>>
      %dma_wait3A_647 = arith.constant 0 : i32
      %dma_wait3A_648 = arith.constant 0 : i32
      %dma_wait3A_649 = tpu.memref_slice %arg3[%dma_wait3A_647, %dma_wait3A_648] : memref<32x1000001xf32, #tpu.memory_space<hbm>> -> memref<32x128xf32, #tpu.memory_space<hbm>>
      tpu.wait_dma2 semaphore(%arg24 : memref<!tpu.dma_semaphore, #tpu.memory_space<semaphore_mem>>) src(%dma_wait3A_649 : memref<32x128xf32, #tpu.memory_space<hbm>>) dst(%arg14 : memref<32x128xf32, #tpu.memory_space<vmem>>)
      %and3A_650 = arith.constant 127 : i32
      %and3A_651 = arith.andi %squeeze3A_103, %and3A_650 : i32
      %broadcast_in_dim3A_652 = vector.broadcast %and3A_651 : i32 to vector<16xi32>
      %and3A_653 = arith.constant 127 : i32
      %and3A_654 = arith.andi %squeeze3A_135, %and3A_653 : i32
      %broadcast_in_dim3A_655 = vector.broadcast %and3A_654 : i32 to vector<16xi32>
      %gather3A_656 = tpu.vector_load_idx %arg10[%iota3A, %broadcast_in_dim3A_652] : memref<32x128xf32, #tpu.memory_space<vmem>>[vector<16xi32>, vector<16xi32>], vector<16xf32>,
      %add3A_657 = arith.constant 16 : i32
      %add3A_658 = vector.broadcast %add3A_657 : i32 to vector<16xi32>
      %add3A_659 = arith.addi %iota3A, %add3A_658 : vector<16xi32>
      %gather3A_660 = tpu.vector_load_idx %arg10[%add3A_659, %broadcast_in_dim3A_652] : memref<32x128xf32, #tpu.memory_space<vmem>>[vector<16xi32>, vector<16xi32>], vector<16xf32>,
      %gather3A_661 = tpu.vector_load_idx %arg14[%iota3A, %broadcast_in_dim3A_655] : memref<32x128xf32, #tpu.memory_space<vmem>>[vector<16xi32>, vector<16xi32>], vector<16xf32>,
      %add3A_662 = arith.constant 16 : i32
      %add3A_663 = vector.broadcast %add3A_662 : i32 to vector<16xi32>
      %add3A_664 = arith.addi %iota3A, %add3A_663 : vector<16xi32>
      %gather3A_665 = tpu.vector_load_idx %arg14[%add3A_664, %broadcast_in_dim3A_655] : memref<32x128xf32, #tpu.memory_space<vmem>>[vector<16xi32>, vector<16xi32>], vector<16xf32>,
      %mul3A_666 = arith.mulf %gather3A_656, %gather3A_661 : vector<16xf32>
      %mul3A_667 = arith.mulf %gather3A_660, %gather3A_665 : vector<16xf32>
      %add3A_668 = arith.addf %mul3A_666, %mul3A_667 : vector<16xf32>
      %swap3A_669 = arith.constant 9 : i32
      %swap3A_670 = arith.index_cast %swap3A_669 : i32 to index
      %swap3A_671 = arith.constant 0 : index
      %swap3A_672 = tpu.vector_load %arg17[%swap3A_670, %swap3A_671] {strides = array<i32>} : memref<16x17xf32, #tpu.memory_space<vmem>>, vector<16xf32>,
      tpu.vector_store %arg17[%swap3A_670, %swap3A_671], %add3A_668 {strides = array<i32>} : memref<16x17xf32, #tpu.memory_space<vmem>>, vector<16xf32>,
      %shift_right_arithmetic3A_673 = arith.constant 7 : i32
      %shift_right_arithmetic3A_674 = arith.shrsi %squeeze3A_111, %shift_right_arithmetic3A_673 : i32
      %mul3A_675 = arith.constant 128 : i32
      %mul3A_676 = arith.muli %shift_right_arithmetic3A_674, %mul3A_675 : i32
      %multiple_of3A_677 = tpu.assume_multiple %mul3A_676, 128 : i32
      %dma_start3A_678 = arith.constant 0 : i32
      %dma_start3A_679 = tpu.memref_slice %arg2[%dma_start3A_678, %multiple_of3A_677] : memref<32x1000001xf32, #tpu.memory_space<hbm>> -> memref<32x128xf32, #tpu.memory_space<hbm>>
      %dma_start3A_680 = arith.constant 0 : i32
      %dma_start3A_681 = tpu.memref_slice %arg2[%dma_start3A_680, %multiple_of3A_677] : memref<32x1000001xf32, #tpu.memory_space<hbm>> -> memref<32x128xf32, #tpu.memory_space<hbm>>
      tpu.enqueue_dma source(%dma_start3A_681 : memref<32x128xf32, #tpu.memory_space<hbm>>) target(%arg10 : memref<32x128xf32, #tpu.memory_space<vmem>>) target_semaphore(%arg20 : memref<!tpu.dma_semaphore, #tpu.memory_space<semaphore_mem>>)
      %shift_right_arithmetic3A_682 = arith.constant 7 : i32
      %shift_right_arithmetic3A_683 = arith.shrsi %squeeze3A_143, %shift_right_arithmetic3A_682 : i32
      %mul3A_684 = arith.constant 128 : i32
      %mul3A_685 = arith.muli %shift_right_arithmetic3A_683, %mul3A_684 : i32
      %multiple_of3A_686 = tpu.assume_multiple %mul3A_685, 128 : i32
      %dma_start3A_687 = arith.constant 0 : i32
      %dma_start3A_688 = tpu.memref_slice %arg3[%dma_start3A_687, %multiple_of3A_686] : memref<32x1000001xf32, #tpu.memory_space<hbm>> -> memref<32x128xf32, #tpu.memory_space<hbm>>
      %dma_start3A_689 = arith.constant 0 : i32
      %dma_start3A_690 = tpu.memref_slice %arg3[%dma_start3A_689, %multiple_of3A_686] : memref<32x1000001xf32, #tpu.memory_space<hbm>> -> memref<32x128xf32, #tpu.memory_space<hbm>>
      tpu.enqueue_dma source(%dma_start3A_690 : memref<32x128xf32, #tpu.memory_space<hbm>>) target(%arg14 : memref<32x128xf32, #tpu.memory_space<vmem>>) target_semaphore(%arg24 : memref<!tpu.dma_semaphore, #tpu.memory_space<semaphore_mem>>)
      %dma_wait3A_691 = arith.constant 0 : i32
      %dma_wait3A_692 = arith.constant 0 : i32
      %dma_wait3A_693 = tpu.memref_slice %arg2[%dma_wait3A_691, %dma_wait3A_692] : memref<32x1000001xf32, #tpu.memory_space<hbm>> -> memref<32x128xf32, #tpu.memory_space<hbm>>
      %dma_wait3A_694 = arith.constant 0 : i32
      %dma_wait3A_695 = arith.constant 0 : i32
      %dma_wait3A_696 = tpu.memref_slice %arg2[%dma_wait3A_694, %dma_wait3A_695] : memref<32x1000001xf32, #tpu.memory_space<hbm>> -> memref<32x128xf32, #tpu.memory_space<hbm>>
      tpu.wait_dma2 semaphore(%arg21 : memref<!tpu.dma_semaphore, #tpu.memory_space<semaphore_mem>>) src(%dma_wait3A_696 : memref<32x128xf32, #tpu.memory_space<hbm>>) dst(%arg11 : memref<32x128xf32, #tpu.memory_space<vmem>>)
      %dma_wait3A_697 = arith.constant 0 : i32
      %dma_wait3A_698 = arith.constant 0 : i32
      %dma_wait3A_699 = tpu.memref_slice %arg3[%dma_wait3A_697, %dma_wait3A_698] : memref<32x1000001xf32, #tpu.memory_space<hbm>> -> memref<32x128xf32, #tpu.memory_space<hbm>>
      %dma_wait3A_700 = arith.constant 0 : i32
      %dma_wait3A_701 = arith.constant 0 : i32
      %dma_wait3A_702 = tpu.memref_slice %arg3[%dma_wait3A_700, %dma_wait3A_701] : memref<32x1000001xf32, #tpu.memory_space<hbm>> -> memref<32x128xf32, #tpu.memory_space<hbm>>
      tpu.wait_dma2 semaphore(%arg25 : memref<!tpu.dma_semaphore, #tpu.memory_space<semaphore_mem>>) src(%dma_wait3A_702 : memref<32x128xf32, #tpu.memory_space<hbm>>) dst(%arg15 : memref<32x128xf32, #tpu.memory_space<vmem>>)
      %and3A_703 = arith.constant 127 : i32
      %and3A_704 = arith.andi %squeeze3A_105, %and3A_703 : i32
      %broadcast_in_dim3A_705 = vector.broadcast %and3A_704 : i32 to vector<16xi32>
      %and3A_706 = arith.constant 127 : i32
      %and3A_707 = arith.andi %squeeze3A_137, %and3A_706 : i32
      %broadcast_in_dim3A_708 = vector.broadcast %and3A_707 : i32 to vector<16xi32>
      %gather3A_709 = tpu.vector_load_idx %arg11[%iota3A, %broadcast_in_dim3A_705] : memref<32x128xf32, #tpu.memory_space<vmem>>[vector<16xi32>, vector<16xi32>], vector<16xf32>,
      %add3A_710 = arith.constant 16 : i32
      %add3A_711 = vector.broadcast %add3A_710 : i32 to vector<16xi32>
      %add3A_712 = arith.addi %iota3A, %add3A_711 : vector<16xi32>
      %gather3A_713 = tpu.vector_load_idx %arg11[%add3A_712, %broadcast_in_dim3A_705] : memref<32x128xf32, #tpu.memory_space<vmem>>[vector<16xi32>, vector<16xi32>], vector<16xf32>,
      %gather3A_714 = tpu.vector_load_idx %arg15[%iota3A, %broadcast_in_dim3A_708] : memref<32x128xf32, #tpu.memory_space<vmem>>[vector<16xi32>, vector<16xi32>], vector<16xf32>,
      %add3A_715 = arith.constant 16 : i32
      %add3A_716 = vector.broadcast %add3A_715 : i32 to vector<16xi32>
      %add3A_717 = arith.addi %iota3A, %add3A_716 : vector<16xi32>
      %gather3A_718 = tpu.vector_load_idx %arg15[%add3A_717, %broadcast_in_dim3A_708] : memref<32x128xf32, #tpu.memory_space<vmem>>[vector<16xi32>, vector<16xi32>], vector<16xf32>,
      %mul3A_719 = arith.mulf %gather3A_709, %gather3A_714 : vector<16xf32>
      %mul3A_720 = arith.mulf %gather3A_713, %gather3A_718 : vector<16xf32>
      %add3A_721 = arith.addf %mul3A_719, %mul3A_720 : vector<16xf32>
      %swap3A_722 = arith.constant 10 : i32
      %swap3A_723 = arith.index_cast %swap3A_722 : i32 to index
      %swap3A_724 = arith.constant 0 : index
      %swap3A_725 = tpu.vector_load %arg17[%swap3A_723, %swap3A_724] {strides = array<i32>} : memref<16x17xf32, #tpu.memory_space<vmem>>, vector<16xf32>,
      tpu.vector_store %arg17[%swap3A_723, %swap3A_724], %add3A_721 {strides = array<i32>} : memref<16x17xf32, #tpu.memory_space<vmem>>, vector<16xf32>,
      %shift_right_arithmetic3A_726 = arith.constant 7 : i32
      %shift_right_arithmetic3A_727 = arith.shrsi %squeeze3A_113, %shift_right_arithmetic3A_726 : i32
      %mul3A_728 = arith.constant 128 : i32
      %mul3A_729 = arith.muli %shift_right_arithmetic3A_727, %mul3A_728 : i32
      %multiple_of3A_730 = tpu.assume_multiple %mul3A_729, 128 : i32
      %dma_start3A_731 = arith.constant 0 : i32
      %dma_start3A_732 = tpu.memref_slice %arg2[%dma_start3A_731, %multiple_of3A_730] : memref<32x1000001xf32, #tpu.memory_space<hbm>> -> memref<32x128xf32, #tpu.memory_space<hbm>>
      %dma_start3A_733 = arith.constant 0 : i32
      %dma_start3A_734 = tpu.memref_slice %arg2[%dma_start3A_733, %multiple_of3A_730] : memref<32x1000001xf32, #tpu.memory_space<hbm>> -> memref<32x128xf32, #tpu.memory_space<hbm>>
      tpu.enqueue_dma source(%dma_start3A_734 : memref<32x128xf32, #tpu.memory_space<hbm>>) target(%arg11 : memref<32x128xf32, #tpu.memory_space<vmem>>) target_semaphore(%arg21 : memref<!tpu.dma_semaphore, #tpu.memory_space<semaphore_mem>>)
      %shift_right_arithmetic3A_735 = arith.constant 7 : i32
      %shift_right_arithmetic3A_736 = arith.shrsi %squeeze3A_145, %shift_right_arithmetic3A_735 : i32
      %mul3A_737 = arith.constant 128 : i32
      %mul3A_738 = arith.muli %shift_right_arithmetic3A_736, %mul3A_737 : i32
      %multiple_of3A_739 = tpu.assume_multiple %mul3A_738, 128 : i32
      %dma_start3A_740 = arith.constant 0 : i32
      %dma_start3A_741 = tpu.memref_slice %arg3[%dma_start3A_740, %multiple_of3A_739] : memref<32x1000001xf32, #tpu.memory_space<hbm>> -> memref<32x128xf32, #tpu.memory_space<hbm>>
      %dma_start3A_742 = arith.constant 0 : i32
      %dma_start3A_743 = tpu.memref_slice %arg3[%dma_start3A_742, %multiple_of3A_739] : memref<32x1000001xf32, #tpu.memory_space<hbm>> -> memref<32x128xf32, #tpu.memory_space<hbm>>
      tpu.enqueue_dma source(%dma_start3A_743 : memref<32x128xf32, #tpu.memory_space<hbm>>) target(%arg15 : memref<32x128xf32, #tpu.memory_space<vmem>>) target_semaphore(%arg25 : memref<!tpu.dma_semaphore, #tpu.memory_space<semaphore_mem>>)
      %dma_wait3A_744 = arith.constant 0 : i32
      %dma_wait3A_745 = arith.constant 0 : i32
      %dma_wait3A_746 = tpu.memref_slice %arg2[%dma_wait3A_744, %dma_wait3A_745] : memref<32x1000001xf32, #tpu.memory_space<hbm>> -> memref<32x128xf32, #tpu.memory_space<hbm>>
      %dma_wait3A_747 = arith.constant 0 : i32
      %dma_wait3A_748 = arith.constant 0 : i32
      %dma_wait3A_749 = tpu.memref_slice %arg2[%dma_wait3A_747, %dma_wait3A_748] : memref<32x1000001xf32, #tpu.memory_space<hbm>> -> memref<32x128xf32, #tpu.memory_space<hbm>>
      tpu.wait_dma2 semaphore(%arg22 : memref<!tpu.dma_semaphore, #tpu.memory_space<semaphore_mem>>) src(%dma_wait3A_749 : memref<32x128xf32, #tpu.memory_space<hbm>>) dst(%arg12 : memref<32x128xf32, #tpu.memory_space<vmem>>)
      %dma_wait3A_750 = arith.constant 0 : i32
      %dma_wait3A_751 = arith.constant 0 : i32
      %dma_wait3A_752 = tpu.memref_slice %arg3[%dma_wait3A_750, %dma_wait3A_751] : memref<32x1000001xf32, #tpu.memory_space<hbm>> -> memref<32x128xf32, #tpu.memory_space<hbm>>
      %dma_wait3A_753 = arith.constant 0 : i32
      %dma_wait3A_754 = arith.constant 0 : i32
      %dma_wait3A_755 = tpu.memref_slice %arg3[%dma_wait3A_753, %dma_wait3A_754] : memref<32x1000001xf32, #tpu.memory_space<hbm>> -> memref<32x128xf32, #tpu.memory_space<hbm>>
      tpu.wait_dma2 semaphore(%arg26 : memref<!tpu.dma_semaphore, #tpu.memory_space<semaphore_mem>>) src(%dma_wait3A_755 : memref<32x128xf32, #tpu.memory_space<hbm>>) dst(%arg16 : memref<32x128xf32, #tpu.memory_space<vmem>>)
      %and3A_756 = arith.constant 127 : i32
      %and3A_757 = arith.andi %squeeze3A_107, %and3A_756 : i32
      %broadcast_in_dim3A_758 = vector.broadcast %and3A_757 : i32 to vector<16xi32>
      %and3A_759 = arith.constant 127 : i32
      %and3A_760 = arith.andi %squeeze3A_139, %and3A_759 : i32
      %broadcast_in_dim3A_761 = vector.broadcast %and3A_760 : i32 to vector<16xi32>
      %gather3A_762 = tpu.vector_load_idx %arg12[%iota3A, %broadcast_in_dim3A_758] : memref<32x128xf32, #tpu.memory_space<vmem>>[vector<16xi32>, vector<16xi32>], vector<16xf32>,
      %add3A_763 = arith.constant 16 : i32
      %add3A_764 = vector.broadcast %add3A_763 : i32 to vector<16xi32>
      %add3A_765 = arith.addi %iota3A, %add3A_764 : vector<16xi32>
      %gather3A_766 = tpu.vector_load_idx %arg12[%add3A_765, %broadcast_in_dim3A_758] : memref<32x128xf32, #tpu.memory_space<vmem>>[vector<16xi32>, vector<16xi32>], vector<16xf32>,
      %gather3A_767 = tpu.vector_load_idx %arg16[%iota3A, %broadcast_in_dim3A_761] : memref<32x128xf32, #tpu.memory_space<vmem>>[vector<16xi32>, vector<16xi32>], vector<16xf32>,
      %add3A_768 = arith.constant 16 : i32
      %add3A_769 = vector.broadcast %add3A_768 : i32 to vector<16xi32>
      %add3A_770 = arith.addi %iota3A, %add3A_769 : vector<16xi32>
      %gather3A_771 = tpu.vector_load_idx %arg16[%add3A_770, %broadcast_in_dim3A_761] : memref<32x128xf32, #tpu.memory_space<vmem>>[vector<16xi32>, vector<16xi32>], vector<16xf32>,
      %mul3A_772 = arith.mulf %gather3A_762, %gather3A_767 : vector<16xf32>
      %mul3A_773 = arith.mulf %gather3A_766, %gather3A_771 : vector<16xf32>
      %add3A_774 = arith.addf %mul3A_772, %mul3A_773 : vector<16xf32>
      %swap3A_775 = arith.constant 11 : i32
      %swap3A_776 = arith.index_cast %swap3A_775 : i32 to index
      %swap3A_777 = arith.constant 0 : index
      %swap3A_778 = tpu.vector_load %arg17[%swap3A_776, %swap3A_777] {strides = array<i32>} : memref<16x17xf32, #tpu.memory_space<vmem>>, vector<16xf32>,
      tpu.vector_store %arg17[%swap3A_776, %swap3A_777], %add3A_774 {strides = array<i32>} : memref<16x17xf32, #tpu.memory_space<vmem>>, vector<16xf32>,
      %shift_right_arithmetic3A_779 = arith.constant 7 : i32
      %shift_right_arithmetic3A_780 = arith.shrsi %squeeze3A_115, %shift_right_arithmetic3A_779 : i32
      %mul3A_781 = arith.constant 128 : i32
      %mul3A_782 = arith.muli %shift_right_arithmetic3A_780, %mul3A_781 : i32
      %multiple_of3A_783 = tpu.assume_multiple %mul3A_782, 128 : i32
      %dma_start3A_784 = arith.constant 0 : i32
      %dma_start3A_785 = tpu.memref_slice %arg2[%dma_start3A_784, %multiple_of3A_783] : memref<32x1000001xf32, #tpu.memory_space<hbm>> -> memref<32x128xf32, #tpu.memory_space<hbm>>
      %dma_start3A_786 = arith.constant 0 : i32
      %dma_start3A_787 = tpu.memref_slice %arg2[%dma_start3A_786, %multiple_of3A_783] : memref<32x1000001xf32, #tpu.memory_space<hbm>> -> memref<32x128xf32, #tpu.memory_space<hbm>>
      tpu.enqueue_dma source(%dma_start3A_787 : memref<32x128xf32, #tpu.memory_space<hbm>>) target(%arg12 : memref<32x128xf32, #tpu.memory_space<vmem>>) target_semaphore(%arg22 : memref<!tpu.dma_semaphore, #tpu.memory_space<semaphore_mem>>)
      %shift_right_arithmetic3A_788 = arith.constant 7 : i32
      %shift_right_arithmetic3A_789 = arith.shrsi %squeeze3A_147, %shift_right_arithmetic3A_788 : i32
      %mul3A_790 = arith.constant 128 : i32
      %mul3A_791 = arith.muli %shift_right_arithmetic3A_789, %mul3A_790 : i32
      %multiple_of3A_792 = tpu.assume_multiple %mul3A_791, 128 : i32
      %dma_start3A_793 = arith.constant 0 : i32
      %dma_start3A_794 = tpu.memref_slice %arg3[%dma_start3A_793, %multiple_of3A_792] : memref<32x1000001xf32, #tpu.memory_space<hbm>> -> memref<32x128xf32, #tpu.memory_space<hbm>>
      %dma_start3A_795 = arith.constant 0 : i32
      %dma_start3A_796 = tpu.memref_slice %arg3[%dma_start3A_795, %multiple_of3A_792] : memref<32x1000001xf32, #tpu.memory_space<hbm>> -> memref<32x128xf32, #tpu.memory_space<hbm>>
      tpu.enqueue_dma source(%dma_start3A_796 : memref<32x128xf32, #tpu.memory_space<hbm>>) target(%arg16 : memref<32x128xf32, #tpu.memory_space<vmem>>) target_semaphore(%arg26 : memref<!tpu.dma_semaphore, #tpu.memory_space<semaphore_mem>>)
      %dma_wait3A_797 = arith.constant 0 : i32
      %dma_wait3A_798 = arith.constant 0 : i32
      %dma_wait3A_799 = tpu.memref_slice %arg2[%dma_wait3A_797, %dma_wait3A_798] : memref<32x1000001xf32, #tpu.memory_space<hbm>> -> memref<32x128xf32, #tpu.memory_space<hbm>>
      %dma_wait3A_800 = arith.constant 0 : i32
      %dma_wait3A_801 = arith.constant 0 : i32
      %dma_wait3A_802 = tpu.memref_slice %arg2[%dma_wait3A_800, %dma_wait3A_801] : memref<32x1000001xf32, #tpu.memory_space<hbm>> -> memref<32x128xf32, #tpu.memory_space<hbm>>
      tpu.wait_dma2 semaphore(%arg19 : memref<!tpu.dma_semaphore, #tpu.memory_space<semaphore_mem>>) src(%dma_wait3A_802 : memref<32x128xf32, #tpu.memory_space<hbm>>) dst(%arg9 : memref<32x128xf32, #tpu.memory_space<vmem>>)
      %dma_wait3A_803 = arith.constant 0 : i32
      %dma_wait3A_804 = arith.constant 0 : i32
      %dma_wait3A_805 = tpu.memref_slice %arg3[%dma_wait3A_803, %dma_wait3A_804] : memref<32x1000001xf32, #tpu.memory_space<hbm>> -> memref<32x128xf32, #tpu.memory_space<hbm>>
      %dma_wait3A_806 = arith.constant 0 : i32
      %dma_wait3A_807 = arith.constant 0 : i32
      %dma_wait3A_808 = tpu.memref_slice %arg3[%dma_wait3A_806, %dma_wait3A_807] : memref<32x1000001xf32, #tpu.memory_space<hbm>> -> memref<32x128xf32, #tpu.memory_space<hbm>>
      tpu.wait_dma2 semaphore(%arg23 : memref<!tpu.dma_semaphore, #tpu.memory_space<semaphore_mem>>) src(%dma_wait3A_808 : memref<32x128xf32, #tpu.memory_space<hbm>>) dst(%arg13 : memref<32x128xf32, #tpu.memory_space<vmem>>)
      %and3A_809 = arith.constant 127 : i32
      %and3A_810 = arith.andi %squeeze3A_109, %and3A_809 : i32
      %broadcast_in_dim3A_811 = vector.broadcast %and3A_810 : i32 to vector<16xi32>
      %and3A_812 = arith.constant 127 : i32
      %and3A_813 = arith.andi %squeeze3A_141, %and3A_812 : i32
      %broadcast_in_dim3A_814 = vector.broadcast %and3A_813 : i32 to vector<16xi32>
      %gather3A_815 = tpu.vector_load_idx %arg9[%iota3A, %broadcast_in_dim3A_811] : memref<32x128xf32, #tpu.memory_space<vmem>>[vector<16xi32>, vector<16xi32>], vector<16xf32>,
      %add3A_816 = arith.constant 16 : i32
      %add3A_817 = vector.broadcast %add3A_816 : i32 to vector<16xi32>
      %add3A_818 = arith.addi %iota3A, %add3A_817 : vector<16xi32>
      %gather3A_819 = tpu.vector_load_idx %arg9[%add3A_818, %broadcast_in_dim3A_811] : memref<32x128xf32, #tpu.memory_space<vmem>>[vector<16xi32>, vector<16xi32>], vector<16xf32>,
      %gather3A_820 = tpu.vector_load_idx %arg13[%iota3A, %broadcast_in_dim3A_814] : memref<32x128xf32, #tpu.memory_space<vmem>>[vector<16xi32>, vector<16xi32>], vector<16xf32>,
      %add3A_821 = arith.constant 16 : i32
      %add3A_822 = vector.broadcast %add3A_821 : i32 to vector<16xi32>
      %add3A_823 = arith.addi %iota3A, %add3A_822 : vector<16xi32>
      %gather3A_824 = tpu.vector_load_idx %arg13[%add3A_823, %broadcast_in_dim3A_814] : memref<32x128xf32, #tpu.memory_space<vmem>>[vector<16xi32>, vector<16xi32>], vector<16xf32>,
      %mul3A_825 = arith.mulf %gather3A_815, %gather3A_820 : vector<16xf32>
      %mul3A_826 = arith.mulf %gather3A_819, %gather3A_824 : vector<16xf32>
      %add3A_827 = arith.addf %mul3A_825, %mul3A_826 : vector<16xf32>
      %swap3A_828 = arith.constant 12 : i32
      %swap3A_829 = arith.index_cast %swap3A_828 : i32 to index
      %swap3A_830 = arith.constant 0 : index
      %swap3A_831 = tpu.vector_load %arg17[%swap3A_829, %swap3A_830] {strides = array<i32>} : memref<16x17xf32, #tpu.memory_space<vmem>>, vector<16xf32>,
      tpu.vector_store %arg17[%swap3A_829, %swap3A_830], %add3A_827 {strides = array<i32>} : memref<16x17xf32, #tpu.memory_space<vmem>>, vector<16xf32>,
      %lt3A = arith.constant 31 : i32
      %lt3A_832 = arith.cmpi slt, %add3A_75, %lt3A : i32
      %convert_element_type3A = arith.extui %lt3A_832 : i1 to i32
      %cond3A = arith.constant 0 : i32
      %cond3A_833 = arith.cmpi ne, %convert_element_type3A, %cond3A : i32
      scf.if %cond3A_833 {
        %add3A_1016 = arith.constant 1 : i32
        %add3A_1017 = arith.addi %add3A_75, %add3A_1016 : i32
        %mul3A_1018 = arith.constant 16 : i32
        %mul3A_1019 = arith.muli %add3A_1017, %mul3A_1018 : i32
        %get3A_1020 = arith.index_cast %mul3A_1019 : i32 to index
        %get3A_1021 = tpu.vector_load %arg7[%get3A_1020] {strides = array<i32>} : memref<512xi32, #tpu.memory_space<vmem>>, vector<16xi32>,
        %add3A_1022 = arith.constant 1 : i32
        %add3A_1023 = arith.addi %add3A_75, %add3A_1022 : i32
        %mul3A_1024 = arith.constant 16 : i32
        %mul3A_1025 = arith.muli %add3A_1023, %mul3A_1024 : i32
        %get3A_1026 = arith.index_cast %mul3A_1025 : i32 to index
        %get3A_1027 = tpu.vector_load %arg8[%get3A_1026] {strides = array<i32>} : memref<512xi32, #tpu.memory_space<vmem>>, vector<16xi32>,
        %slice3A_1028 = vector.extract_strided_slice %get3A_1021 {offsets = [0], sizes = [1], strides = [1]} : vector<16xi32> to vector<1xi32>
        %squeeze3A_1029 = vector.extract %slice3A_1028[0] : i32 from vector<1xi32>
        %slice3A_1030 = vector.extract_strided_slice %get3A_1027 {offsets = [0], sizes = [1], strides = [1]} : vector<16xi32> to vector<1xi32>
        %squeeze3A_1031 = vector.extract %slice3A_1030[0] : i32 from vector<1xi32>
        %shift_right_arithmetic3A_1032 = arith.constant 7 : i32
        %shift_right_arithmetic3A_1033 = arith.shrsi %squeeze3A_1029, %shift_right_arithmetic3A_1032 : i32
        %mul3A_1034 = arith.constant 128 : i32
        %mul3A_1035 = arith.muli %shift_right_arithmetic3A_1033, %mul3A_1034 : i32
        %multiple_of3A_1036 = tpu.assume_multiple %mul3A_1035, 128 : i32
        %dma_start3A_1037 = arith.constant 0 : i32
        %dma_start3A_1038 = tpu.memref_slice %arg2[%dma_start3A_1037, %multiple_of3A_1036] : memref<32x1000001xf32, #tpu.memory_space<hbm>> -> memref<32x128xf32, #tpu.memory_space<hbm>>
        %dma_start3A_1039 = arith.constant 0 : i32
        %dma_start3A_1040 = tpu.memref_slice %arg2[%dma_start3A_1039, %multiple_of3A_1036] : memref<32x1000001xf32, #tpu.memory_space<hbm>> -> memref<32x128xf32, #tpu.memory_space<hbm>>
        tpu.enqueue_dma source(%dma_start3A_1040 : memref<32x128xf32, #tpu.memory_space<hbm>>) target(%arg9 : memref<32x128xf32, #tpu.memory_space<vmem>>) target_semaphore(%arg19 : memref<!tpu.dma_semaphore, #tpu.memory_space<semaphore_mem>>)
        %shift_right_arithmetic3A_1041 = arith.constant 7 : i32
        %shift_right_arithmetic3A_1042 = arith.shrsi %squeeze3A_1031, %shift_right_arithmetic3A_1041 : i32
        %mul3A_1043 = arith.constant 128 : i32
        %mul3A_1044 = arith.muli %shift_right_arithmetic3A_1042, %mul3A_1043 : i32
        %multiple_of3A_1045 = tpu.assume_multiple %mul3A_1044, 128 : i32
        %dma_start3A_1046 = arith.constant 0 : i32
        %dma_start3A_1047 = tpu.memref_slice %arg3[%dma_start3A_1046, %multiple_of3A_1045] : memref<32x1000001xf32, #tpu.memory_space<hbm>> -> memref<32x128xf32, #tpu.memory_space<hbm>>
        %dma_start3A_1048 = arith.constant 0 : i32
        %dma_start3A_1049 = tpu.memref_slice %arg3[%dma_start3A_1048, %multiple_of3A_1045] : memref<32x1000001xf32, #tpu.memory_space<hbm>> -> memref<32x128xf32, #tpu.memory_space<hbm>>
        tpu.enqueue_dma source(%dma_start3A_1049 : memref<32x128xf32, #tpu.memory_space<hbm>>) target(%arg13 : memref<32x128xf32, #tpu.memory_space<vmem>>) target_semaphore(%arg23 : memref<!tpu.dma_semaphore, #tpu.memory_space<semaphore_mem>>)
      } else {
      }
      %dma_wait3A_834 = arith.constant 0 : i32
      %dma_wait3A_835 = arith.constant 0 : i32
      %dma_wait3A_836 = tpu.memref_slice %arg2[%dma_wait3A_834, %dma_wait3A_835] : memref<32x1000001xf32, #tpu.memory_space<hbm>> -> memref<32x128xf32, #tpu.memory_space<hbm>>
      %dma_wait3A_837 = arith.constant 0 : i32
      %dma_wait3A_838 = arith.constant 0 : i32
      %dma_wait3A_839 = tpu.memref_slice %arg2[%dma_wait3A_837, %dma_wait3A_838] : memref<32x1000001xf32, #tpu.memory_space<hbm>> -> memref<32x128xf32, #tpu.memory_space<hbm>>
      tpu.wait_dma2 semaphore(%arg20 : memref<!tpu.dma_semaphore, #tpu.memory_space<semaphore_mem>>) src(%dma_wait3A_839 : memref<32x128xf32, #tpu.memory_space<hbm>>) dst(%arg10 : memref<32x128xf32, #tpu.memory_space<vmem>>)
      %dma_wait3A_840 = arith.constant 0 : i32
      %dma_wait3A_841 = arith.constant 0 : i32
      %dma_wait3A_842 = tpu.memref_slice %arg3[%dma_wait3A_840, %dma_wait3A_841] : memref<32x1000001xf32, #tpu.memory_space<hbm>> -> memref<32x128xf32, #tpu.memory_space<hbm>>
      %dma_wait3A_843 = arith.constant 0 : i32
      %dma_wait3A_844 = arith.constant 0 : i32
      %dma_wait3A_845 = tpu.memref_slice %arg3[%dma_wait3A_843, %dma_wait3A_844] : memref<32x1000001xf32, #tpu.memory_space<hbm>> -> memref<32x128xf32, #tpu.memory_space<hbm>>
      tpu.wait_dma2 semaphore(%arg24 : memref<!tpu.dma_semaphore, #tpu.memory_space<semaphore_mem>>) src(%dma_wait3A_845 : memref<32x128xf32, #tpu.memory_space<hbm>>) dst(%arg14 : memref<32x128xf32, #tpu.memory_space<vmem>>)
      %and3A_846 = arith.constant 127 : i32
      %and3A_847 = arith.andi %squeeze3A_111, %and3A_846 : i32
      %broadcast_in_dim3A_848 = vector.broadcast %and3A_847 : i32 to vector<16xi32>
      %and3A_849 = arith.constant 127 : i32
      %and3A_850 = arith.andi %squeeze3A_143, %and3A_849 : i32
      %broadcast_in_dim3A_851 = vector.broadcast %and3A_850 : i32 to vector<16xi32>
      %gather3A_852 = tpu.vector_load_idx %arg10[%iota3A, %broadcast_in_dim3A_848] : memref<32x128xf32, #tpu.memory_space<vmem>>[vector<16xi32>, vector<16xi32>], vector<16xf32>,
      %add3A_853 = arith.constant 16 : i32
      %add3A_854 = vector.broadcast %add3A_853 : i32 to vector<16xi32>
      %add3A_855 = arith.addi %iota3A, %add3A_854 : vector<16xi32>
      %gather3A_856 = tpu.vector_load_idx %arg10[%add3A_855, %broadcast_in_dim3A_848] : memref<32x128xf32, #tpu.memory_space<vmem>>[vector<16xi32>, vector<16xi32>], vector<16xf32>,
      %gather3A_857 = tpu.vector_load_idx %arg14[%iota3A, %broadcast_in_dim3A_851] : memref<32x128xf32, #tpu.memory_space<vmem>>[vector<16xi32>, vector<16xi32>], vector<16xf32>,
      %add3A_858 = arith.constant 16 : i32
      %add3A_859 = vector.broadcast %add3A_858 : i32 to vector<16xi32>
      %add3A_860 = arith.addi %iota3A, %add3A_859 : vector<16xi32>
      %gather3A_861 = tpu.vector_load_idx %arg14[%add3A_860, %broadcast_in_dim3A_851] : memref<32x128xf32, #tpu.memory_space<vmem>>[vector<16xi32>, vector<16xi32>], vector<16xf32>,
      %mul3A_862 = arith.mulf %gather3A_852, %gather3A_857 : vector<16xf32>
      %mul3A_863 = arith.mulf %gather3A_856, %gather3A_861 : vector<16xf32>
      %add3A_864 = arith.addf %mul3A_862, %mul3A_863 : vector<16xf32>
      %swap3A_865 = arith.constant 13 : i32
      %swap3A_866 = arith.index_cast %swap3A_865 : i32 to index
      %swap3A_867 = arith.constant 0 : index
      %swap3A_868 = tpu.vector_load %arg17[%swap3A_866, %swap3A_867] {strides = array<i32>} : memref<16x17xf32, #tpu.memory_space<vmem>>, vector<16xf32>,
      tpu.vector_store %arg17[%swap3A_866, %swap3A_867], %add3A_864 {strides = array<i32>} : memref<16x17xf32, #tpu.memory_space<vmem>>, vector<16xf32>,
      %lt3A_869 = arith.constant 31 : i32
      %lt3A_870 = arith.cmpi slt, %add3A_75, %lt3A_869 : i32
      %convert_element_type3A_871 = arith.extui %lt3A_870 : i1 to i32
      %cond3A_872 = arith.constant 0 : i32
      %cond3A_873 = arith.cmpi ne, %convert_element_type3A_871, %cond3A_872 : i32
      scf.if %cond3A_873 {
        %add3A_1016 = arith.constant 1 : i32
        %add3A_1017 = arith.addi %add3A_75, %add3A_1016 : i32
        %mul3A_1018 = arith.constant 16 : i32
        %mul3A_1019 = arith.muli %add3A_1017, %mul3A_1018 : i32
        %get3A_1020 = arith.index_cast %mul3A_1019 : i32 to index
        %get3A_1021 = tpu.vector_load %arg7[%get3A_1020] {strides = array<i32>} : memref<512xi32, #tpu.memory_space<vmem>>, vector<16xi32>,
        %add3A_1022 = arith.constant 1 : i32
        %add3A_1023 = arith.addi %add3A_75, %add3A_1022 : i32
        %mul3A_1024 = arith.constant 16 : i32
        %mul3A_1025 = arith.muli %add3A_1023, %mul3A_1024 : i32
        %get3A_1026 = arith.index_cast %mul3A_1025 : i32 to index
        %get3A_1027 = tpu.vector_load %arg8[%get3A_1026] {strides = array<i32>} : memref<512xi32, #tpu.memory_space<vmem>>, vector<16xi32>,
        %slice3A_1028 = vector.extract_strided_slice %get3A_1021 {offsets = [1], sizes = [1], strides = [1]} : vector<16xi32> to vector<1xi32>
        %squeeze3A_1029 = vector.extract %slice3A_1028[0] : i32 from vector<1xi32>
        %slice3A_1030 = vector.extract_strided_slice %get3A_1027 {offsets = [1], sizes = [1], strides = [1]} : vector<16xi32> to vector<1xi32>
        %squeeze3A_1031 = vector.extract %slice3A_1030[0] : i32 from vector<1xi32>
        %shift_right_arithmetic3A_1032 = arith.constant 7 : i32
        %shift_right_arithmetic3A_1033 = arith.shrsi %squeeze3A_1029, %shift_right_arithmetic3A_1032 : i32
        %mul3A_1034 = arith.constant 128 : i32
        %mul3A_1035 = arith.muli %shift_right_arithmetic3A_1033, %mul3A_1034 : i32
        %multiple_of3A_1036 = tpu.assume_multiple %mul3A_1035, 128 : i32
        %dma_start3A_1037 = arith.constant 0 : i32
        %dma_start3A_1038 = tpu.memref_slice %arg2[%dma_start3A_1037, %multiple_of3A_1036] : memref<32x1000001xf32, #tpu.memory_space<hbm>> -> memref<32x128xf32, #tpu.memory_space<hbm>>
        %dma_start3A_1039 = arith.constant 0 : i32
        %dma_start3A_1040 = tpu.memref_slice %arg2[%dma_start3A_1039, %multiple_of3A_1036] : memref<32x1000001xf32, #tpu.memory_space<hbm>> -> memref<32x128xf32, #tpu.memory_space<hbm>>
        tpu.enqueue_dma source(%dma_start3A_1040 : memref<32x128xf32, #tpu.memory_space<hbm>>) target(%arg10 : memref<32x128xf32, #tpu.memory_space<vmem>>) target_semaphore(%arg20 : memref<!tpu.dma_semaphore, #tpu.memory_space<semaphore_mem>>)
        %shift_right_arithmetic3A_1041 = arith.constant 7 : i32
        %shift_right_arithmetic3A_1042 = arith.shrsi %squeeze3A_1031, %shift_right_arithmetic3A_1041 : i32
        %mul3A_1043 = arith.constant 128 : i32
        %mul3A_1044 = arith.muli %shift_right_arithmetic3A_1042, %mul3A_1043 : i32
        %multiple_of3A_1045 = tpu.assume_multiple %mul3A_1044, 128 : i32
        %dma_start3A_1046 = arith.constant 0 : i32
        %dma_start3A_1047 = tpu.memref_slice %arg3[%dma_start3A_1046, %multiple_of3A_1045] : memref<32x1000001xf32, #tpu.memory_space<hbm>> -> memref<32x128xf32, #tpu.memory_space<hbm>>
        %dma_start3A_1048 = arith.constant 0 : i32
        %dma_start3A_1049 = tpu.memref_slice %arg3[%dma_start3A_1048, %multiple_of3A_1045] : memref<32x1000001xf32, #tpu.memory_space<hbm>> -> memref<32x128xf32, #tpu.memory_space<hbm>>
        tpu.enqueue_dma source(%dma_start3A_1049 : memref<32x128xf32, #tpu.memory_space<hbm>>) target(%arg14 : memref<32x128xf32, #tpu.memory_space<vmem>>) target_semaphore(%arg24 : memref<!tpu.dma_semaphore, #tpu.memory_space<semaphore_mem>>)
      } else {
      }
      %dma_wait3A_874 = arith.constant 0 : i32
      %dma_wait3A_875 = arith.constant 0 : i32
      %dma_wait3A_876 = tpu.memref_slice %arg2[%dma_wait3A_874, %dma_wait3A_875] : memref<32x1000001xf32, #tpu.memory_space<hbm>> -> memref<32x128xf32, #tpu.memory_space<hbm>>
      %dma_wait3A_877 = arith.constant 0 : i32
      %dma_wait3A_878 = arith.constant 0 : i32
      %dma_wait3A_879 = tpu.memref_slice %arg2[%dma_wait3A_877, %dma_wait3A_878] : memref<32x1000001xf32, #tpu.memory_space<hbm>> -> memref<32x128xf32, #tpu.memory_space<hbm>>
      tpu.wait_dma2 semaphore(%arg21 : memref<!tpu.dma_semaphore, #tpu.memory_space<semaphore_mem>>) src(%dma_wait3A_879 : memref<32x128xf32, #tpu.memory_space<hbm>>) dst(%arg11 : memref<32x128xf32, #tpu.memory_space<vmem>>)
      %dma_wait3A_880 = arith.constant 0 : i32
      %dma_wait3A_881 = arith.constant 0 : i32
      %dma_wait3A_882 = tpu.memref_slice %arg3[%dma_wait3A_880, %dma_wait3A_881] : memref<32x1000001xf32, #tpu.memory_space<hbm>> -> memref<32x128xf32, #tpu.memory_space<hbm>>
      %dma_wait3A_883 = arith.constant 0 : i32
      %dma_wait3A_884 = arith.constant 0 : i32
      %dma_wait3A_885 = tpu.memref_slice %arg3[%dma_wait3A_883, %dma_wait3A_884] : memref<32x1000001xf32, #tpu.memory_space<hbm>> -> memref<32x128xf32, #tpu.memory_space<hbm>>
      tpu.wait_dma2 semaphore(%arg25 : memref<!tpu.dma_semaphore, #tpu.memory_space<semaphore_mem>>) src(%dma_wait3A_885 : memref<32x128xf32, #tpu.memory_space<hbm>>) dst(%arg15 : memref<32x128xf32, #tpu.memory_space<vmem>>)
      %and3A_886 = arith.constant 127 : i32
      %and3A_887 = arith.andi %squeeze3A_113, %and3A_886 : i32
      %broadcast_in_dim3A_888 = vector.broadcast %and3A_887 : i32 to vector<16xi32>
      %and3A_889 = arith.constant 127 : i32
      %and3A_890 = arith.andi %squeeze3A_145, %and3A_889 : i32
      %broadcast_in_dim3A_891 = vector.broadcast %and3A_890 : i32 to vector<16xi32>
      %gather3A_892 = tpu.vector_load_idx %arg11[%iota3A, %broadcast_in_dim3A_888] : memref<32x128xf32, #tpu.memory_space<vmem>>[vector<16xi32>, vector<16xi32>], vector<16xf32>,
      %add3A_893 = arith.constant 16 : i32
      %add3A_894 = vector.broadcast %add3A_893 : i32 to vector<16xi32>
      %add3A_895 = arith.addi %iota3A, %add3A_894 : vector<16xi32>
      %gather3A_896 = tpu.vector_load_idx %arg11[%add3A_895, %broadcast_in_dim3A_888] : memref<32x128xf32, #tpu.memory_space<vmem>>[vector<16xi32>, vector<16xi32>], vector<16xf32>,
      %gather3A_897 = tpu.vector_load_idx %arg15[%iota3A, %broadcast_in_dim3A_891] : memref<32x128xf32, #tpu.memory_space<vmem>>[vector<16xi32>, vector<16xi32>], vector<16xf32>,
      %add3A_898 = arith.constant 16 : i32
      %add3A_899 = vector.broadcast %add3A_898 : i32 to vector<16xi32>
      %add3A_900 = arith.addi %iota3A, %add3A_899 : vector<16xi32>
      %gather3A_901 = tpu.vector_load_idx %arg15[%add3A_900, %broadcast_in_dim3A_891] : memref<32x128xf32, #tpu.memory_space<vmem>>[vector<16xi32>, vector<16xi32>], vector<16xf32>,
      %mul3A_902 = arith.mulf %gather3A_892, %gather3A_897 : vector<16xf32>
      %mul3A_903 = arith.mulf %gather3A_896, %gather3A_901 : vector<16xf32>
      %add3A_904 = arith.addf %mul3A_902, %mul3A_903 : vector<16xf32>
      %swap3A_905 = arith.constant 14 : i32
      %swap3A_906 = arith.index_cast %swap3A_905 : i32 to index
      %swap3A_907 = arith.constant 0 : index
      %swap3A_908 = tpu.vector_load %arg17[%swap3A_906, %swap3A_907] {strides = array<i32>} : memref<16x17xf32, #tpu.memory_space<vmem>>, vector<16xf32>,
      tpu.vector_store %arg17[%swap3A_906, %swap3A_907], %add3A_904 {strides = array<i32>} : memref<16x17xf32, #tpu.memory_space<vmem>>, vector<16xf32>,
      %lt3A_909 = arith.constant 31 : i32
      %lt3A_910 = arith.cmpi slt, %add3A_75, %lt3A_909 : i32
      %convert_element_type3A_911 = arith.extui %lt3A_910 : i1 to i32
      %cond3A_912 = arith.constant 0 : i32
      %cond3A_913 = arith.cmpi ne, %convert_element_type3A_911, %cond3A_912 : i32
      scf.if %cond3A_913 {
        %add3A_1016 = arith.constant 1 : i32
        %add3A_1017 = arith.addi %add3A_75, %add3A_1016 : i32
        %mul3A_1018 = arith.constant 16 : i32
        %mul3A_1019 = arith.muli %add3A_1017, %mul3A_1018 : i32
        %get3A_1020 = arith.index_cast %mul3A_1019 : i32 to index
        %get3A_1021 = tpu.vector_load %arg7[%get3A_1020] {strides = array<i32>} : memref<512xi32, #tpu.memory_space<vmem>>, vector<16xi32>,
        %add3A_1022 = arith.constant 1 : i32
        %add3A_1023 = arith.addi %add3A_75, %add3A_1022 : i32
        %mul3A_1024 = arith.constant 16 : i32
        %mul3A_1025 = arith.muli %add3A_1023, %mul3A_1024 : i32
        %get3A_1026 = arith.index_cast %mul3A_1025 : i32 to index
        %get3A_1027 = tpu.vector_load %arg8[%get3A_1026] {strides = array<i32>} : memref<512xi32, #tpu.memory_space<vmem>>, vector<16xi32>,
        %slice3A_1028 = vector.extract_strided_slice %get3A_1021 {offsets = [2], sizes = [1], strides = [1]} : vector<16xi32> to vector<1xi32>
        %squeeze3A_1029 = vector.extract %slice3A_1028[0] : i32 from vector<1xi32>
        %slice3A_1030 = vector.extract_strided_slice %get3A_1027 {offsets = [2], sizes = [1], strides = [1]} : vector<16xi32> to vector<1xi32>
        %squeeze3A_1031 = vector.extract %slice3A_1030[0] : i32 from vector<1xi32>
        %shift_right_arithmetic3A_1032 = arith.constant 7 : i32
        %shift_right_arithmetic3A_1033 = arith.shrsi %squeeze3A_1029, %shift_right_arithmetic3A_1032 : i32
        %mul3A_1034 = arith.constant 128 : i32
        %mul3A_1035 = arith.muli %shift_right_arithmetic3A_1033, %mul3A_1034 : i32
        %multiple_of3A_1036 = tpu.assume_multiple %mul3A_1035, 128 : i32
        %dma_start3A_1037 = arith.constant 0 : i32
        %dma_start3A_1038 = tpu.memref_slice %arg2[%dma_start3A_1037, %multiple_of3A_1036] : memref<32x1000001xf32, #tpu.memory_space<hbm>> -> memref<32x128xf32, #tpu.memory_space<hbm>>
        %dma_start3A_1039 = arith.constant 0 : i32
        %dma_start3A_1040 = tpu.memref_slice %arg2[%dma_start3A_1039, %multiple_of3A_1036] : memref<32x1000001xf32, #tpu.memory_space<hbm>> -> memref<32x128xf32, #tpu.memory_space<hbm>>
        tpu.enqueue_dma source(%dma_start3A_1040 : memref<32x128xf32, #tpu.memory_space<hbm>>) target(%arg11 : memref<32x128xf32, #tpu.memory_space<vmem>>) target_semaphore(%arg21 : memref<!tpu.dma_semaphore, #tpu.memory_space<semaphore_mem>>)
        %shift_right_arithmetic3A_1041 = arith.constant 7 : i32
        %shift_right_arithmetic3A_1042 = arith.shrsi %squeeze3A_1031, %shift_right_arithmetic3A_1041 : i32
        %mul3A_1043 = arith.constant 128 : i32
        %mul3A_1044 = arith.muli %shift_right_arithmetic3A_1042, %mul3A_1043 : i32
        %multiple_of3A_1045 = tpu.assume_multiple %mul3A_1044, 128 : i32
        %dma_start3A_1046 = arith.constant 0 : i32
        %dma_start3A_1047 = tpu.memref_slice %arg3[%dma_start3A_1046, %multiple_of3A_1045] : memref<32x1000001xf32, #tpu.memory_space<hbm>> -> memref<32x128xf32, #tpu.memory_space<hbm>>
        %dma_start3A_1048 = arith.constant 0 : i32
        %dma_start3A_1049 = tpu.memref_slice %arg3[%dma_start3A_1048, %multiple_of3A_1045] : memref<32x1000001xf32, #tpu.memory_space<hbm>> -> memref<32x128xf32, #tpu.memory_space<hbm>>
        tpu.enqueue_dma source(%dma_start3A_1049 : memref<32x128xf32, #tpu.memory_space<hbm>>) target(%arg15 : memref<32x128xf32, #tpu.memory_space<vmem>>) target_semaphore(%arg25 : memref<!tpu.dma_semaphore, #tpu.memory_space<semaphore_mem>>)
      } else {
      }
      %dma_wait3A_914 = arith.constant 0 : i32
      %dma_wait3A_915 = arith.constant 0 : i32
      %dma_wait3A_916 = tpu.memref_slice %arg2[%dma_wait3A_914, %dma_wait3A_915] : memref<32x1000001xf32, #tpu.memory_space<hbm>> -> memref<32x128xf32, #tpu.memory_space<hbm>>
      %dma_wait3A_917 = arith.constant 0 : i32
      %dma_wait3A_918 = arith.constant 0 : i32
      %dma_wait3A_919 = tpu.memref_slice %arg2[%dma_wait3A_917, %dma_wait3A_918] : memref<32x1000001xf32, #tpu.memory_space<hbm>> -> memref<32x128xf32, #tpu.memory_space<hbm>>
      tpu.wait_dma2 semaphore(%arg22 : memref<!tpu.dma_semaphore, #tpu.memory_space<semaphore_mem>>) src(%dma_wait3A_919 : memref<32x128xf32, #tpu.memory_space<hbm>>) dst(%arg12 : memref<32x128xf32, #tpu.memory_space<vmem>>)
      %dma_wait3A_920 = arith.constant 0 : i32
      %dma_wait3A_921 = arith.constant 0 : i32
      %dma_wait3A_922 = tpu.memref_slice %arg3[%dma_wait3A_920, %dma_wait3A_921] : memref<32x1000001xf32, #tpu.memory_space<hbm>> -> memref<32x128xf32, #tpu.memory_space<hbm>>
      %dma_wait3A_923 = arith.constant 0 : i32
      %dma_wait3A_924 = arith.constant 0 : i32
      %dma_wait3A_925 = tpu.memref_slice %arg3[%dma_wait3A_923, %dma_wait3A_924] : memref<32x1000001xf32, #tpu.memory_space<hbm>> -> memref<32x128xf32, #tpu.memory_space<hbm>>
      tpu.wait_dma2 semaphore(%arg26 : memref<!tpu.dma_semaphore, #tpu.memory_space<semaphore_mem>>) src(%dma_wait3A_925 : memref<32x128xf32, #tpu.memory_space<hbm>>) dst(%arg16 : memref<32x128xf32, #tpu.memory_space<vmem>>)
      %and3A_926 = arith.constant 127 : i32
      %and3A_927 = arith.andi %squeeze3A_115, %and3A_926 : i32
      %broadcast_in_dim3A_928 = vector.broadcast %and3A_927 : i32 to vector<16xi32>
      %and3A_929 = arith.constant 127 : i32
      %and3A_930 = arith.andi %squeeze3A_147, %and3A_929 : i32
      %broadcast_in_dim3A_931 = vector.broadcast %and3A_930 : i32 to vector<16xi32>
      %gather3A_932 = tpu.vector_load_idx %arg12[%iota3A, %broadcast_in_dim3A_928] : memref<32x128xf32, #tpu.memory_space<vmem>>[vector<16xi32>, vector<16xi32>], vector<16xf32>,
      %add3A_933 = arith.constant 16 : i32
      %add3A_934 = vector.broadcast %add3A_933 : i32 to vector<16xi32>
      %add3A_935 = arith.addi %iota3A, %add3A_934 : vector<16xi32>
      %gather3A_936 = tpu.vector_load_idx %arg12[%add3A_935, %broadcast_in_dim3A_928] : memref<32x128xf32, #tpu.memory_space<vmem>>[vector<16xi32>, vector<16xi32>], vector<16xf32>,
      %gather3A_937 = tpu.vector_load_idx %arg16[%iota3A, %broadcast_in_dim3A_931] : memref<32x128xf32, #tpu.memory_space<vmem>>[vector<16xi32>, vector<16xi32>], vector<16xf32>,
      %add3A_938 = arith.constant 16 : i32
      %add3A_939 = vector.broadcast %add3A_938 : i32 to vector<16xi32>
      %add3A_940 = arith.addi %iota3A, %add3A_939 : vector<16xi32>
      %gather3A_941 = tpu.vector_load_idx %arg16[%add3A_940, %broadcast_in_dim3A_931] : memref<32x128xf32, #tpu.memory_space<vmem>>[vector<16xi32>, vector<16xi32>], vector<16xf32>,
      %mul3A_942 = arith.mulf %gather3A_932, %gather3A_937 : vector<16xf32>
      %mul3A_943 = arith.mulf %gather3A_936, %gather3A_941 : vector<16xf32>
      %add3A_944 = arith.addf %mul3A_942, %mul3A_943 : vector<16xf32>
      %swap3A_945 = arith.constant 15 : i32
      %swap3A_946 = arith.index_cast %swap3A_945 : i32 to index
      %swap3A_947 = arith.constant 0 : index
      %swap3A_948 = tpu.vector_load %arg17[%swap3A_946, %swap3A_947] {strides = array<i32>} : memref<16x17xf32, #tpu.memory_space<vmem>>, vector<16xf32>,
      tpu.vector_store %arg17[%swap3A_946, %swap3A_947], %add3A_944 {strides = array<i32>} : memref<16x17xf32, #tpu.memory_space<vmem>>, vector<16xf32>,
      %broadcast_in_dim3A_949 = arith.constant 0 : i32
      %broadcast_in_dim3A_950 = vector.broadcast %broadcast_in_dim3A_949 : i32 to vector<16xi32>
      %gather3A_951 = tpu.vector_load_idx %arg17[%iota3A, %broadcast_in_dim3A_950] : memref<16x17xf32, #tpu.memory_space<vmem>>[vector<16xi32>, vector<16xi32>], vector<16xf32>,
      %broadcast_in_dim3A_952 = arith.constant 1 : i32
      %broadcast_in_dim3A_953 = vector.broadcast %broadcast_in_dim3A_952 : i32 to vector<16xi32>
      %gather3A_954 = tpu.vector_load_idx %arg17[%iota3A, %broadcast_in_dim3A_953] : memref<16x17xf32, #tpu.memory_space<vmem>>[vector<16xi32>, vector<16xi32>], vector<16xf32>,
      %add3A_955 = arith.addf %gather3A_951, %gather3A_954 : vector<16xf32>
      %broadcast_in_dim3A_956 = arith.constant 2 : i32
      %broadcast_in_dim3A_957 = vector.broadcast %broadcast_in_dim3A_956 : i32 to vector<16xi32>
      %gather3A_958 = tpu.vector_load_idx %arg17[%iota3A, %broadcast_in_dim3A_957] : memref<16x17xf32, #tpu.memory_space<vmem>>[vector<16xi32>, vector<16xi32>], vector<16xf32>,
      %add3A_959 = arith.addf %add3A_955, %gather3A_958 : vector<16xf32>
      %broadcast_in_dim3A_960 = arith.constant 3 : i32
      %broadcast_in_dim3A_961 = vector.broadcast %broadcast_in_dim3A_960 : i32 to vector<16xi32>
      %gather3A_962 = tpu.vector_load_idx %arg17[%iota3A, %broadcast_in_dim3A_961] : memref<16x17xf32, #tpu.memory_space<vmem>>[vector<16xi32>, vector<16xi32>], vector<16xf32>,
      %add3A_963 = arith.addf %add3A_959, %gather3A_962 : vector<16xf32>
      %broadcast_in_dim3A_964 = arith.constant 4 : i32
      %broadcast_in_dim3A_965 = vector.broadcast %broadcast_in_dim3A_964 : i32 to vector<16xi32>
      %gather3A_966 = tpu.vector_load_idx %arg17[%iota3A, %broadcast_in_dim3A_965] : memref<16x17xf32, #tpu.memory_space<vmem>>[vector<16xi32>, vector<16xi32>], vector<16xf32>,
      %add3A_967 = arith.addf %add3A_963, %gather3A_966 : vector<16xf32>
      %broadcast_in_dim3A_968 = arith.constant 5 : i32
      %broadcast_in_dim3A_969 = vector.broadcast %broadcast_in_dim3A_968 : i32 to vector<16xi32>
      %gather3A_970 = tpu.vector_load_idx %arg17[%iota3A, %broadcast_in_dim3A_969] : memref<16x17xf32, #tpu.memory_space<vmem>>[vector<16xi32>, vector<16xi32>], vector<16xf32>,
      %add3A_971 = arith.addf %add3A_967, %gather3A_970 : vector<16xf32>
      %broadcast_in_dim3A_972 = arith.constant 6 : i32
      %broadcast_in_dim3A_973 = vector.broadcast %broadcast_in_dim3A_972 : i32 to vector<16xi32>
      %gather3A_974 = tpu.vector_load_idx %arg17[%iota3A, %broadcast_in_dim3A_973] : memref<16x17xf32, #tpu.memory_space<vmem>>[vector<16xi32>, vector<16xi32>], vector<16xf32>,
      %add3A_975 = arith.addf %add3A_971, %gather3A_974 : vector<16xf32>
      %broadcast_in_dim3A_976 = arith.constant 7 : i32
      %broadcast_in_dim3A_977 = vector.broadcast %broadcast_in_dim3A_976 : i32 to vector<16xi32>
      %gather3A_978 = tpu.vector_load_idx %arg17[%iota3A, %broadcast_in_dim3A_977] : memref<16x17xf32, #tpu.memory_space<vmem>>[vector<16xi32>, vector<16xi32>], vector<16xf32>,
      %add3A_979 = arith.addf %add3A_975, %gather3A_978 : vector<16xf32>
      %broadcast_in_dim3A_980 = arith.constant 8 : i32
      %broadcast_in_dim3A_981 = vector.broadcast %broadcast_in_dim3A_980 : i32 to vector<16xi32>
      %gather3A_982 = tpu.vector_load_idx %arg17[%iota3A, %broadcast_in_dim3A_981] : memref<16x17xf32, #tpu.memory_space<vmem>>[vector<16xi32>, vector<16xi32>], vector<16xf32>,
      %add3A_983 = arith.addf %add3A_979, %gather3A_982 : vector<16xf32>
      %broadcast_in_dim3A_984 = arith.constant 9 : i32
      %broadcast_in_dim3A_985 = vector.broadcast %broadcast_in_dim3A_984 : i32 to vector<16xi32>
      %gather3A_986 = tpu.vector_load_idx %arg17[%iota3A, %broadcast_in_dim3A_985] : memref<16x17xf32, #tpu.memory_space<vmem>>[vector<16xi32>, vector<16xi32>], vector<16xf32>,
      %add3A_987 = arith.addf %add3A_983, %gather3A_986 : vector<16xf32>
      %broadcast_in_dim3A_988 = arith.constant 10 : i32
      %broadcast_in_dim3A_989 = vector.broadcast %broadcast_in_dim3A_988 : i32 to vector<16xi32>
      %gather3A_990 = tpu.vector_load_idx %arg17[%iota3A, %broadcast_in_dim3A_989] : memref<16x17xf32, #tpu.memory_space<vmem>>[vector<16xi32>, vector<16xi32>], vector<16xf32>,
      %add3A_991 = arith.addf %add3A_987, %gather3A_990 : vector<16xf32>
      %broadcast_in_dim3A_992 = arith.constant 11 : i32
      %broadcast_in_dim3A_993 = vector.broadcast %broadcast_in_dim3A_992 : i32 to vector<16xi32>
      %gather3A_994 = tpu.vector_load_idx %arg17[%iota3A, %broadcast_in_dim3A_993] : memref<16x17xf32, #tpu.memory_space<vmem>>[vector<16xi32>, vector<16xi32>], vector<16xf32>,
      %add3A_995 = arith.addf %add3A_991, %gather3A_994 : vector<16xf32>
      %broadcast_in_dim3A_996 = arith.constant 12 : i32
      %broadcast_in_dim3A_997 = vector.broadcast %broadcast_in_dim3A_996 : i32 to vector<16xi32>
      %gather3A_998 = tpu.vector_load_idx %arg17[%iota3A, %broadcast_in_dim3A_997] : memref<16x17xf32, #tpu.memory_space<vmem>>[vector<16xi32>, vector<16xi32>], vector<16xf32>,
      %add3A_999 = arith.addf %add3A_995, %gather3A_998 : vector<16xf32>
      %broadcast_in_dim3A_1000 = arith.constant 13 : i32
      %broadcast_in_dim3A_1001 = vector.broadcast %broadcast_in_dim3A_1000 : i32 to vector<16xi32>
      %gather3A_1002 = tpu.vector_load_idx %arg17[%iota3A, %broadcast_in_dim3A_1001] : memref<16x17xf32, #tpu.memory_space<vmem>>[vector<16xi32>, vector<16xi32>], vector<16xf32>,
      %add3A_1003 = arith.addf %add3A_999, %gather3A_1002 : vector<16xf32>
      %broadcast_in_dim3A_1004 = arith.constant 14 : i32
      %broadcast_in_dim3A_1005 = vector.broadcast %broadcast_in_dim3A_1004 : i32 to vector<16xi32>
      %gather3A_1006 = tpu.vector_load_idx %arg17[%iota3A, %broadcast_in_dim3A_1005] : memref<16x17xf32, #tpu.memory_space<vmem>>[vector<16xi32>, vector<16xi32>], vector<16xf32>,
      %add3A_1007 = arith.addf %add3A_1003, %gather3A_1006 : vector<16xf32>
      %broadcast_in_dim3A_1008 = arith.constant 15 : i32
      %broadcast_in_dim3A_1009 = vector.broadcast %broadcast_in_dim3A_1008 : i32 to vector<16xi32>
      %gather3A_1010 = tpu.vector_load_idx %arg17[%iota3A, %broadcast_in_dim3A_1009] : memref<16x17xf32, #tpu.memory_space<vmem>>[vector<16xi32>, vector<16xi32>], vector<16xf32>,
      %add3A_1011 = arith.addf %add3A_1007, %gather3A_1010 : vector<16xf32>
      %mul3A_1012 = arith.constant 16 : i32
      %mul3A_1013 = arith.muli %add3A_75, %mul3A_1012 : i32
      %swap3A_1014 = arith.index_cast %mul3A_1013 : i32 to index
      %swap3A_1015 = tpu.vector_load %arg18[%swap3A_1014] {strides = array<i32>} : memref<512xf32, #tpu.memory_space<vmem>>, vector<16xf32>,
      tpu.vector_store %arg18[%swap3A_1014], %add3A_1011 {strides = array<i32>} : memref<512xf32, #tpu.memory_space<vmem>>, vector<16xf32>,
    }
    %scan3A_70 = arith.constant 32 : i32
    "tpu.region"() ({
      %run_scoped3A = tpu.sem_alloc : memref<!tpu.dma_semaphore, #tpu.memory_space<semaphore_mem>>
      %dma_start3A_71 = tpu.memref_slice %arg6[%mul3A_2] : memref<16384xf32, #tpu.memory_space<hbm>> -> memref<512xf32, #tpu.memory_space<hbm>>
      %dma_start3A_72 = tpu.memref_slice %arg6[%mul3A_2] : memref<16384xf32, #tpu.memory_space<hbm>> -> memref<512xf32, #tpu.memory_space<hbm>>
      tpu.enqueue_dma source(%arg18 : memref<512xf32, #tpu.memory_space<vmem>>) target(%dma_start3A_72 : memref<512xf32, #tpu.memory_space<hbm>>) target_semaphore(%run_scoped3A : memref<!tpu.dma_semaphore, #tpu.memory_space<semaphore_mem>>)
      %dma_wait3A = tpu.memref_slice %arg6[%mul3A_2] : memref<16384xf32, #tpu.memory_space<hbm>> -> memref<512xf32, #tpu.memory_space<hbm>>
      %dma_wait3A_73 = tpu.memref_slice %arg6[%mul3A_2] : memref<16384xf32, #tpu.memory_space<hbm>> -> memref<512xf32, #tpu.memory_space<hbm>>
      tpu.wait_dma2 semaphore(%run_scoped3A : memref<!tpu.dma_semaphore, #tpu.memory_space<semaphore_mem>>) src(%arg18 : memref<512xf32, #tpu.memory_space<vmem>>) dst(%dma_wait3A_73 : memref<512xf32, #tpu.memory_space<hbm>>)
      tpu.yield
    }) : () -> ()
    return
  }
}

</mosaic_0001>

<sc_bundles>
// kernel: kernel.3.cloned.1.call-start
scs
__scs_entry_jumppad:
0x0: {  	(pc) =	sbr.rel $0x88, $3  }
0x1: {  	(tag) =	ssettag $0x0;
	lr =	simm.s32 $0x1  }
0x2: {  	[smem:$0x3F9D] =	sst lr;
	_ =	strace $0xD0000000  }
0x3: {  	_ = 	snop  }
0x4: {  	_ = 	snop  }
0x5: {  	_ = 	snop  }
0x6: {  	_ = 	snop  }
0x7: {  	_ = 	snop  }
__scs_overlays_trampoline_lowered:
0x8: {  	[smem:$0x3FAC] =	sst s0  }
0x9: {  	[smem:$0x3FAD] =	sst s1  }
0xa: {  	[smem:$0x3FAE] =	sst s2  }
0xb: {  	[smem:$0x3FAF] =	sst s3  }
0xc: {  	[smem:$0x3FB0] =	sst s4  }
0xd: {  	[smem:$0x3FB1] =	sst s5  }
0xe: {  	[smem:$0x3FB2] =	sst s6  }
0xf: {  	[smem:$0x3FB3] =	sst s7  }
0x10: {  	[smem:$0x3FB4] =	sst s8  }
0x11: {  	[smem:$0x3FB5] =	sst s9;
	s0 =	simm.s32 @!p0 $0x0  }
0x12: {  	s1 =	sld [smem:$0x3F9B];
	s0 =	simm.s32 @p0 $0x1  }
0x13: {  	[smem:$0x3FB6] =	sst s0;
	s0 =	simm.s32 @!p1 $0x0  }
0x14: {  	s2 =	sld [smem:$0x3F9A];
	s0 =	simm.s32 @p1 $0x1  }
0x15: {  	[smem:$0x3FB7] =	sst s0;
	s0 =	simm.s32 @!p2 $0x0  }
0x16: {  	s3 =	sld [smem:$0x3FDB];
	s0 =	simm.s32 @p2 $0x1  }
0x17: {  	s4 =	simm.s32 $0x1BF5;
	[smem:$0x3FB9] =	sst s0  }
0x18: {  	s0 =	sld [smem:$0x3F9C];
	_ =	swait.ge [sflag:s4], $0x0  }
0x19: {  	s7 =	sld [smem:$0x3F9D]  }
0x1a: {  	s8 =	sadd.s32 $0xFFFFE003, lr  }
0x1b: {  	s9 =	sadd.s32 $0xFFFFFEF7, lr;
	s5 =	simm.s32 $0xFFFFFFFF;
	p2 =	slt.u32 s8, $0xFFFFF086  }
0x1c: {  	p1 =	slt.u32 s9, $0xF7A;
	s5 =	simm.s32 @!p2 $0x0  }
0x1d: {  	s5 =	simm.s32 @p1 $0x1;
	p0 =	seq.s32 s7, s2  }
0x1e: {  	s7 =	smul.u32 @!p0 $0xF7A, s2;
	p2 =	seq.s32 @!p0 s5, $0x0  }
0x1f: {  	s9 =	smul.u32 $0xF7A, s1;
	s8 =	simm.s32 @!p0 $0x1BF5;
	p2 =	por !p2, p0  }
0x20: {  	[sflag:s8] =	ssyncset.s32 @!p0 $0xFFFFF086;
	s6 =	sadd.s32 @!p0 s3, s7;
	s7 =	simm.s32 @!p0 $0x108  }
0x21: {  	s3 =	sadd.s32 s3, s9;
	s6 =	sadd.s32 @!p0 $0x88, s6;
	s7 =	simm.s32 @p2 $0x1082  }
0x22: {  	[simem:s7], [sflag:s8] =	dma.local @!p0 [hbm:s6], $0xF7A  }
0x23: {  	s9 =	sor.u32 $0xD0000000, s2;
	s6 =	simm.s32 $0x108;
	_ =	swait.ge @!p0 [sflag:s8], $0x0  }
0x24: {  	s3 =	sadd.s32 $0x88, s3;
	s6 =	simm.s32 @!p1 $0x1082;
	[sflag:s4] =	ssyncset.s32 $0xFFFFF086  }
0x25: {  	[simem:s6], [sflag:s4] =	dma.local [hbm:s3], $0xF7A  }
0x26: {  	[smem:$0x3F9D] =	sst s1;
	(tag) =	ssettag s2;
	_ =	strace s9  }
0x27: {  	s1 =	sld [smem:$0x3FAD]  }
0x28: {  	s2 =	sld [smem:$0x3FAE]  }
0x29: {  	s4 =	sld [smem:$0x3FB0]  }
0x2a: {  	p0 =	seq.s32 s5, $0x0;
	s5 =	sld [smem:$0x3FB1]  }
0x2b: {  	s6 =	sld [smem:$0x3FB2]  }
0x2c: {  	s7 =	sld [smem:$0x3FB3]  }
0x2d: {  	s3 =	simm.s32 $0x108;
	s8 =	sld [smem:$0x3FB4]  }
0x2e: {  	s3 =	simm.s32 @!p0 $0x1082;
	s9 =	sld [smem:$0x3FB5]  }
0x2f: {  	lr =	sadd.s32 s0, s3;
	s0 =	sld [smem:$0x3FAC]  }
0x30: {  	s3 =	sld [smem:$0x3FAF]  }
0x31: {  	[smem:$0x3FB8] =	sst s10  }
0x32: {  	s10 =	sld [smem:$0x3FB6];
	_ =	sdelay $0x3  }
0x33: {  	p0 =	seq.s32 s10, $0x1;
	s10 =	sld [smem:$0x3FB8];
	_ =	sdelay $0x3  }
0x34: {  	[smem:$0x3FB8] =	sst s10  }
0x35: {  	s10 =	sld [smem:$0x3FB7];
	_ =	sdelay $0x3  }
0x36: {  	p1 =	seq.s32 s10, $0x1;
	s10 =	sld [smem:$0x3FB8];
	_ =	sdelay $0x3  }
0x37: {  	[smem:$0x3FB8] =	sst s10  }
0x38: {  	s10 =	sld [smem:$0x3FB9]  }
0x39: {  	_ = 	snop;
	(pc) =	sbr.ind lr, $3  }
0x3a: {  	_ = 	snop  }
0x3b: {  	_ = 	snop  }
0x3c: {  	p2 =	seq.s32 s10, $0x1;
	s10 =	sld [smem:$0x3FB8]  }
0x3d: {  	_ =	shalt  }
0x3e: {  	_ =	shalt  }
0x3f: {  	_ =	shalt  }
0x40: {  	_ =	shalt  }
0x41: {  	_ =	shalt  }
0x42: {  	_ =	shalt  }
0x43: {  	_ =	shalt  }
0x44: {  	_ =	shalt  }
0x45: {  	_ =	shalt  }
0x46: {  	_ =	shalt  }
0x47: {  	_ =	shalt  }
0x48: {  	_ =	shalt  }
0x49: {  	_ =	shalt  }
0x4a: {  	_ =	shalt  }
0x4b: {  	_ =	shalt  }
0x4c: {  	_ =	shalt  }
0x4d: {  	_ =	shalt  }
0x4e: {  	_ =	shalt  }
0x4f: {  	_ =	shalt  }
0x50: {  	_ =	shalt  }
0x51: {  	_ =	shalt  }
0x52: {  	_ =	shalt  }
0x53: {  	_ =	shalt  }
0x54: {  	_ =	shalt  }
0x55: {  	_ =	shalt  }
0x56: {  	_ =	shalt  }
0x57: {  	_ =	shalt  }
0x58: {  	_ =	shalt  }
0x59: {  	_ =	shalt  }
0x5a: {  	_ =	shalt  }
0x5b: {  	_ =	shalt  }
0x5c: {  	_ =	shalt  }
0x5d: {  	_ =	shalt  }
0x5e: {  	_ =	shalt  }
0x5f: {  	_ =	shalt  }
0x60: {  	_ =	shalt  }
0x61: {  	_ =	shalt  }
0x62: {  	_ =	shalt  }
0x63: {  	_ =	shalt  }
0x64: {  	_ =	shalt  }
0x65: {  	_ =	shalt  }
0x66: {  	_ =	shalt  }
0x67: {  	_ =	shalt  }
0x68: {  	_ =	shalt  }
0x69: {  	_ =	shalt  }
0x6a: {  	_ =	shalt  }
0x6b: {  	_ =	shalt  }
0x6c: {  	_ =	shalt  }
0x6d: {  	_ =	shalt  }
0x6e: {  	_ =	shalt  }
0x6f: {  	_ =	shalt  }
0x70: {  	_ =	shalt  }
0x71: {  	_ =	shalt  }
0x72: {  	_ =	shalt  }
0x73: {  	_ =	shalt  }
0x74: {  	_ =	shalt  }
0x75: {  	_ =	shalt  }
0x76: {  	_ =	shalt  }
0x77: {  	_ =	shalt  }
0x78: {  	_ =	shalt  }
0x79: {  	_ =	shalt  }
0x7a: {  	_ =	shalt  }
0x7b: {  	_ =	shalt  }
0x7c: {  	_ =	shalt  }
0x7d: {  	_ =	shalt  }
0x7e: {  	_ =	shalt  }
0x7f: {  	_ =	shalt  }
0x80: {  	_ =	shalt  }
0x81: {  	_ =	shalt  }
0x82: {  	_ =	shalt  }
0x83: {  	_ =	shalt  }
0x84: {  	_ =	shalt  }
0x85: {  	_ =	shalt  }
0x86: {  	_ =	shalt  }
0x87: {  	_ =	shalt  }
.Lfunc_end0:
.L_simem_size_0:
called_computation_lowered:
.L_overlay_start_0:
0x88: {  	s2 =	sld [smem:$0x3FD9]  }
0x89: {  	s3 =	sld [smem:$0x3FFE];
	_ =	sdelay $0x1  }
0x8a: {  	s1 =	srdreg.scid  }
0x8b: {  	s0 =	sand.u32 $0x1, s1  }
0x8c: {  	s18 =	sshll.u32 s0, $0xA;
	s2 =	sadd.s32 s3, s2  }
0x8d: {  	s2 =	sadd.s32 s2, s18  }
0x8e: {  	[smem:$0x3FC4] =	sst s2  }
0x8f: {  	_ = 	snop  }
0x90: {  	s2 =	sld [smem:$0x3FC9]  }
0x91: {  	s19 =	sld [smem:$0x3FC8]  }
0x92: {  	s4 =	sld [smem:$0x3FC7]  }
0x93: {  	s5 =	sld [smem:$0x3FC6]  }
0x94: {  	s6 =	sld [smem:$0x3FD0];
	(tm) =	ssettm $0x1  }
0x95: {  	s7 =	sld [smem:$0x3FFB];
	_ =	sdelay $0x3  }
0x96: {  	_ =	strace s7  }
0x97: {  	s7 =	sld [smem:$0x3FFC];
	_ =	sdelay $0x3  }
0x98: {  	_ =	strace s7  }
0x99: {  	s7 =	sld [smem:$0x3FFD];
	_ =	sdelay $0x3  }
0x9a: {  	_ =	strace s7  }
0x9b: {  	_ =	strace $0x8FFFFFFF  }
0x9c: {  	s20 =	sld [smem:$0x3FDB];
	_ =	sdelay $0x1  }
0x9d: {  	s8 =	simm.s32 $_scs_section_size  }
0x9e: {  	s9 =	simm.s32 $_size__tile_overlayer_lowered;
	s10 =	simm.s32 $_tile_overlayer_lowered  }
0x9f: {  	s23 =	simm.s32 $0x1BFF;
	s22 =	sshll.u32 s10, $0x1;
	s7 =	sadd.s32 s8, s20  }
0xa0: {  	s11 =	simm.s32 $0x0;
	s21 =	sshll.u32 s9, $0x1;
	s9 =	sadd.s32 s22, s7  }
0xa1: {  	[timem:s11], [sflag:s23] =	dma.local [hbm:s9], s21  }
0xa2: {  	_ =	swait.ge [sflag:s23], s21  }
0xa3: {  	s8 =	ssub.s32 $0x0, s21;
	[sflag:s23] =	ssyncset.done $0x0  }
0xa4: {  	[sflag:s23] =	ssyncadd.s32 s8;
	_ =	sdelay $0x1  }
0xa5: {  	s24 =	simm.s32 $0x1B8B  }
0xa6: {  	_ =	swait.ge [sflag:s24], $0x1  }
0xa7: {  	[sflag:s24] =	ssyncset.done $0x0  }
0xa8: {  	s25 =	simm.s32 $0x1B8E;
	[sflag:s24] =	ssyncadd.s32 $0xFFFFFFFF  }
0xa9: {  	s26 =	simm.s32 $execute0_lowered;
	[smem:$0x3FD2] =	sst s25  }
0xaa: {  	s8 =	sshll.u32 s26, $0x1;
	_ =	strace $0x80000046;
	[dreg:$0x1] =	wrdreg $0xFFFFFFFF  }
0xab: {  	s28 =	simm.s32 $_size_execute0_lowered;
	s7 =	sadd.s32 s7, s8;
	[dreg:$0x0] =	wrdreg $0x0  }
0xac: {  	s8 =	sshll.u32 s28, $0x1;
	[dreg:$0x2] =	wrdreg s7  }
0xad: {  	[dreg:$0x3] =	wrdreg s8  }
0xae: {  	[dreg:$0x4] =	wrdreg $0xC0  }
0xaf: {  	_ =	task [dreg:s11], $0x5FFFF  }
0xb0: {  	[dreg:$0x1] =	wrdreg $0xFFFFFFFF  }
0xb1: {  	[dreg:$0x0] =	wrdreg $0x60  }
0xb2: {  	[dreg:$0x2] =	wrdreg s4  }
0xb3: {  	[dreg:$0x3] =	wrdreg s5  }
0xb4: {  	[dreg:$0x4] =	wrdreg s2  }
0xb5: {  	[dreg:$0x5] =	wrdreg s19  }
0xb6: {  	[dreg:$0x6] =	wrdreg s6  }
0xb7: {  	[dreg:$0x7] =	wrdreg $0x9  }
0xb8: {  	_ =	task.clear_ibuf [dreg:s11], $0x8FFFF;
	_ =	strace $0x90000046  }
0xb9: {  	s29 =	simm.s32 $0x9;
	_ =	strace $0x80000048  }
0xba: {  	_ =	swait.ge [sflag:s29], $0x1  }
0xbb: {  	[sflag:s29] =	ssyncadd.s32 $0xFFFFFFFF  }
0xbc: {  	_ =	strace $0x90000048  }
0xbd: {  	_ =	sfence  }
0xbe: {  	s30 =	sld [smem:$0x0];
	_ =	sdelay $0x2  }
0xbf: {  	s31 =	sshll.u32 s1, $0xD;
	s1 =	sshrl.u32 s1, $0x2  }
0xc0: {  	s3 =	sand.u32 $0x4000, s31;
	s1 =	sadd.s32 s1, s30  }
0xc1: {  	s0 =	sor.u32 s3, s0;
	s1 =	sshll.u32 s1, $0x11  }
0xc2: {  	s0 =	sor.u32 s1, s0  }
0xc3: {  	s0 =	sadd.s32 $0x8F2B, s0  }
0xc4: {  	[sflag:s0] =	ssyncadd.remote.s32 $0x1  }
0xc5: {  	_ =	sfence.sel $0xFFFF  }
0xc6: {  	[dreg:$0x0] =	wrdreg $0xFFFFFFFF;
	(pc) =	sbr.abs _section_cstart, $3  }
0xc7: {  	[dreg:$0x1] =	wrdreg $0xFFFFFFFF  }
0xc8: {  	_ =	task.clear_ibuf [dreg:s11], $0x2FFFF;
	_ =	strace $0x9FFFFFFF  }
0xc9: {  	(tm) =	ssettm $0x7FFFFFFF  }
tec
execute0_lowered:
.L_overlay_start_1:
0x0: {  	(tag) =	ssettag $0x1  }
0x1: {  	s2 =	rddreg [dreg:$0x0]  }
0x2: {  	s24 =	rddreg [dreg:$0x1]  }
0x3: {  	s0 =	rddreg [dreg:$0x2]  }
0x4: {  	s3 =	rddreg [dreg:$0x3]  }
0x5: {  	s4 =	rddreg [dreg:$0x4];
	s9 =	simm.s32 $0x0  }
0x6: {  	s5 =	srdreg.scid;
	s7 =	stileid.u32;
	s11 =	simm.s32 $0x7A1400  }
0x7: {  	v0 =	vlaneseq.u32;
	s12 =	simm.s32 $0x400;
	s13 =	simm.s32 $0x4400;
	s21 =	simm.s32 $0x1400  }
0x8: {  	s23 =	simm.s32 $0x5400;
	s19 =	simm.s32 $0x2400;
	s5 =	sand.u32 $0x1, s5;
	v0 =	vmul.u32 $0x80, v0  }
0x9: {  	s7 =	sshll.u32 s7, $0x7;
	s6 =	ssub.s32 $0x2, s5;
	s5 =	sshll.u32 s5, $0x6  }
0xa: {  	s22 =	simm.s32 $0x6400;
	[smem:$0x7FF] =	sst s9;
	s5 =	sor.u32 s5, s7;
	v1 =	vor.u32 $0x800, v0  }
0xb: {  	s10 =	simm.s32 $0x7400;
	_ =	strace $0x80000047;
	v2 =	vor.u32 $0x1, v0;
	v3 =	vor.u32 $0x2, v0;
	v4 =	vor.u32 $0x3, v0;
	s0 =	sadd.s32 s0, s5  }
0xc: {  	s8 =	sshrl.u32 s6, $0x1;
	v5 =	vor.u32 $0x4, v0;
	v6 =	vor.u32 $0x5, v0;
	v7 =	vor.u32 $0x6, v0;
	s29 =	sadd.s32 s3, s5;
	[dreg:$0x6] =	wrdreg s0  }
0xd: {  	v8 =	vor.u32 $0x7, v0;
	v9 =	vor.u32 $0x8, v0;
	v10 =	vor.u32 $0x9, v0;
	s6 =	ssub.s32 s6, s8;
	s30 =	sadd.s32 s4, s5;
	[dreg:$0x7] =	wrdreg s29  }
0xe: {  	s1 =	simm.s32 $0x0;
	v11 =	vor.u32 $0xA, v0;
	v12 =	vor.u32 $0xB, v0;
	v13 =	vor.u32 $0xC, v0;
	[dreg:$0x8] =	wrdreg s30;
	s31 =	smax.u32 s6, $0x1  }
0xf: {  	v14 =	vor.u32 $0xD, v0;
	v15 =	vor.u32 $0xE, v0;
	v16 =	vor.u32 $0xF, v0;
	s3 =	simm.s32 $0x9;
	s8 =	simm.s32 $0x3400;
	[dreg:$0x9] =	wrdreg s31  }
.LBB2_1:
0x10: {  	[dreg:$0xa] =	wrdreg s1  }
0x11: {  	s0 =	rddreg [dreg:$0x6]  }
0x12: {  	[tilespmem:s9], [sflag:$0x9] =	stream.linear.gather [hbm4b:s0+s9], $0x200, $0x38;
	[tilespmem:$0x8E00] =	vst v63  }
0x13: {  	_ =	swait.ge [sflag:s3], $0x200  }
0x14: {  	[sflag:s3] =	ssyncset.done $0x0  }
0x15: {  	s4 =	simm.s32 $0x200;
	s20 =	rddreg [dreg:$0x7];
	[sflag:s3] =	ssyncadd.s32 $0xFFFFFE00  }
0x16: {  	[tilespmem:s4], [sflag:$0x9] =	stream.linear.gather [hbm4b:s20+s9], $0x200, $0x38;
	[tilespmem:$0x8E00] =	vst v63  }
0x17: {  	_ =	swait.ge [sflag:s3], $0x200  }
0x18: {  	[sflag:s3] =	ssyncset.done $0x0  }
0x19: {  	[sflag:s3] =	ssyncadd.s32 $0xFFFFFE00  }
0x1a: {  	v17 =	vld [tilespmem:$0x0];
	_ =	sdelay $0x1  }
0x1b: {  	v18 =	vld [tilespmem:$0x200];
	_ =	sdelay $0x2  }
0x1c: {  	(v2sf) =	vpush v17, $0x0;
	_ =	sdelay $0x1  }
0x1d: {  	(v2sf) =	vpush v18, $0x0;
	_ =	sdelay $0x4  }
0x1e: {  	(v2sf) =	vpush v17, $0x1;
	_ =	sdelay $0x2  }
0x1f: {  	(v2sf) =	vpush v18, $0x1;
	_ =	sdelay $0x4  }
0x20: {  	s25 =	spop (v2sf);
	(v2sf) =	vpush v17, $0x2;
	_ =	sdelay $0x1  }
0x21: {  	s26 =	spop (v2sf);
	(v2sf) =	vpush v18, $0x2  }
0x22: {  	s0 =	sand.u32 $0xFFFFF80, s25  }
0x23: {  	s0 =	sadd.s32 s2, s0  }
0x24: {  	[tilespmem:s12], [sflag:$0x1] =	stream.strided.gather [hbm4b:s0+s12], $0x1000, s11, s12, $0x38;
	[tilespmem:$0x8E00] =	vst v63  }
0x25: {  	s0 =	sand.u32 $0xFFFFF80, s26  }
0x26: {  	s28 =	spop (v2sf);
	s0 =	sadd.s32 s24, s0  }
0x27: {  	[tilespmem:s13], [sflag:$0x5] =	stream.strided.gather [hbm4b:s0+s12], $0x1000, s11, s12, $0x38;
	[tilespmem:$0x8E00] =	vst v63  }
0x28: {  	s0 =	sand.u32 $0xFFFFF80, s28  }
0x29: {  	s29 =	spop (v2sf);
	s0 =	sadd.s32 s2, s0  }
0x2a: {  	[tilespmem:s21], [sflag:$0x2] =	stream.strided.gather [hbm4b:s0+s12], $0x1000, s11, s12, $0x38;
	[tilespmem:$0x8E00] =	vst v63  }
0x2b: {  	s0 =	sand.u32 $0xFFFFF80, s29  }
0x2c: {  	s0 =	sadd.s32 s24, s0  }
0x2d: {  	[tilespmem:s23], [sflag:$0x6] =	stream.strided.gather [hbm4b:s0+s12], $0x1000, s11, s12, $0x38;
	[tilespmem:$0x8E00] =	vst v63  }
0x2e: {  	s30 =	spop (v2sf)  }
0x2f: {  	s0 =	sand.u32 $0xFFFFF80, s30  }
0x30: {  	s31 =	spop (v2sf);
	s0 =	sadd.s32 s2, s0  }
0x31: {  	[tilespmem:s19], [sflag:$0x3] =	stream.strided.gather [hbm4b:s0+s12], $0x1000, s11, s12, $0x38;
	[tilespmem:$0x8E00] =	vst v63  }
0x32: {  	s0 =	sand.u32 $0xFFFFF80, s31  }
0x33: {  	s0 =	sadd.s32 s24, s0  }
0x34: {  	[tilespmem:s22], [sflag:$0x7] =	stream.strided.gather [hbm4b:s0+s12], $0x1000, s11, s12, $0x38;
	[tilespmem:$0x8E00] =	vst v63  }
0x35: {  	s0 =	simm.s32 $0x0  }
.LBB2_2:
0x36: {  	s1 =	sshra.s32 s0, $0x2  }
0x37: {  	v17 =	vld [tilespmem:s1+$0x0];
	_ =	sdelay $0x4  }
0x38: {  	(v2sf) =	vpush v17, $0x0  }
0x39: {  	(v2sf) =	vpush v17, $0x1  }
0x3a: {  	(v2sf) =	vpush v17, $0x2  }
0x3b: {  	(v2sf) =	vpush v17, $0x3  }
0x3c: {  	(v2sf) =	vpush v17, $0x4  }
0x3d: {  	(v2sf) =	vpush v17, $0x5  }
0x3e: {  	(v2sf) =	vpush v17, $0x6  }
0x3f: {  	(v2sf) =	vpush v17, $0x7  }
0x40: {  	(v2sf) =	vpush v17, $0x8  }
0x41: {  	(v2sf) =	vpush v17, $0x9  }
0x42: {  	(v2sf) =	vpush v17, $0xA  }
0x43: {  	v18 =	vld [tilespmem:s1+$0x200];
	(v2sf) =	vpush v17, $0xB  }
0x44: {  	(v2sf) =	vpush v17, $0xC  }
0x45: {  	(v2sf) =	vpush v17, $0xD  }
0x46: {  	(v2sf) =	vpush v17, $0xE  }
0x47: {  	s3 =	spop (v2sf);
	(v2sf) =	vpush v17, $0xF  }
0x48: {  	s21 =	spop (v2sf);
	(v2sf) =	vpush v18, $0x0  }
0x49: {  	s19 =	spop (v2sf);
	(v2sf) =	vpush v18, $0x1  }
0x4a: {  	s9 =	spop (v2sf);
	(v2sf) =	vpush v18, $0x2  }
0x4b: {  	s17 =	spop (v2sf)  }
0x4c: {  	(v2sf) =	vpush v18, $0x3;
	s15 =	spop (v2sf)  }
0x4d: {  	(v2sf) =	vpush v18, $0x4;
	s7 =	spop (v2sf)  }
0x4e: {  	(v2sf) =	vpush v18, $0x5;
	s25 =	spop (v2sf)  }
0x4f: {  	(v2sf) =	vpush v18, $0x6;
	s26 =	spop (v2sf)  }
0x50: {  	s28 =	spop (v2sf)  }
0x51: {  	(v2sf) =	vpush v18, $0x7;
	s29 =	spop (v2sf)  }
0x52: {  	(v2sf) =	vpush v18, $0x8;
	s30 =	spop (v2sf)  }
0x53: {  	(v2sf) =	vpush v18, $0x9;
	s31 =	spop (v2sf)  }
0x54: {  	(v2sf) =	vpush v18, $0xA;
	s4 =	spop (v2sf)  }
0x55: {  	(v2sf) =	vpush v18, $0xB;
	s5 =	spop (v2sf)  }
0x56: {  	s6 =	spop (v2sf);
	(v2sf) =	vpush v18, $0xC  }
0x57: {  	s13 =	spop (v2sf);
	(v2sf) =	vpush v18, $0xD  }
0x58: {  	[dreg:$0xc] =	wrdreg s6;
	s6 =	sand.u32 $0xFFFFF80, s9;
	s23 =	spop (v2sf);
	(v2sf) =	vpush v18, $0xE  }
0x59: {  	[dreg:$0xb] =	wrdreg s1;
	s6 =	sadd.s32 s2, s6;
	s22 =	spop (v2sf);
	(v2sf) =	vpush v18, $0xF  }
0x5a: {  	[tilespmem:s8], [sflag:$0x4] =	stream.strided.gather [hbm4b:s6+s12], $0x1000, s11, s12, $0x38;
	[tilespmem:$0x8E00] =	vst v63  }
0x5b: {  	[dreg:$0x1a] =	wrdreg s25;
	s20 =	spop (v2sf)  }
0x5c: {  	[dreg:$0x11] =	wrdreg s31;
	s31 =	spop (v2sf)  }
0x5d: {  	[dreg:$0x19] =	wrdreg s26;
	s8 =	sand.u32 $0xFFFFF80, s20;
	s18 =	spop (v2sf)  }
0x5e: {  	[dreg:$0x17] =	wrdreg s28;
	s6 =	sadd.s32 s24, s8;
	s16 =	spop (v2sf)  }
0x5f: {  	[tilespmem:s10], [sflag:$0x8] =	stream.strided.gather [hbm4b:s6+s12], $0x1000, s11, s12, $0x38;
	[tilespmem:$0x8E00] =	vst v63  }
0x60: {  	[dreg:$0x15] =	wrdreg s29;
	s14 =	spop (v2sf)  }
0x61: {  	[dreg:$0x13] =	wrdreg s30;
	s8 =	spop (v2sf)  }
0x62: {  	[dreg:$0x10] =	wrdreg s4;
	s6 =	spop (v2sf)  }
0x63: {  	[dreg:$0xe] =	wrdreg s5;
	s10 =	spop (v2sf)  }
0x64: {  	[dreg:$0x18] =	wrdreg s10;
	s10 =	spop (v2sf)  }
0x65: {  	[dreg:$0x16] =	wrdreg s10;
	s10 =	spop (v2sf)  }
0x66: {  	[dreg:$0x14] =	wrdreg s10;
	s10 =	spop (v2sf)  }
0x67: {  	[dreg:$0x12] =	wrdreg s10;
	s10 =	spop (v2sf)  }
0x68: {  	[dreg:$0xf] =	wrdreg s10;
	s10 =	spop (v2sf)  }
0x69: {  	s26 =	simm.s32 $0x1;
	[dreg:$0xd] =	wrdreg s10  }
0x6a: {  	s3 =	sand.u32 $0x7F, s3;
	_ =	swait.ge [sflag:s26], $0x1000  }
0x6b: {  	v17 =	vor.u32 s3, v0;
	[sflag:s26] =	ssyncset.done $0x0  }
0x6c: {  	s28 =	simm.s32 $0x5;
	v18 =	vor.u32 s3, v1;
	s10 =	sand.u32 $0x7F, s13;
	[sflag:s26] =	ssyncadd.s32 $0xFFFFF000  }
0x6d: {  	v19 =	vor.u32 s10, v0;
	_ =	swait.ge [sflag:s28], $0x1000  }
0x6e: {  	v20 =	vor.u32 s10, v1;
	[sflag:s28] =	ssyncset.done $0x0  }
0x6f: {  	[sflag:s28] =	ssyncadd.s32 $0xFFFFF000  }
0x70: {  	v17 =	vld.idx.msk [tilespmem:v17+s12+$0x0], $0xffff  }
0x71: {  	s13 =	simm.s32 $0x4400;
	v18 =	vld.idx.msk [tilespmem:v18+s12+$0x0], $0xffff  }
0x72: {  	v19 =	vld.idx.msk [tilespmem:v19+s13+$0x0], $0xffff  }
0x73: {  	v20 =	vld.idx.msk [tilespmem:v20+s13+$0x0], $0xffff;
	_ =	sdelay $0x4  }
0x74: {  	v17 =	vmul.f32 v19, v17;
	v18 =	vmul.f32 v20, v18;
	_ =	sdelay $0x1  }
0x75: {  	v17 =	vadd.f32 v18, v17  }
0x76: {  	s10 =	sand.u32 $0xFFFFF80, s17  }
0x77: {  	s3 =	sadd.s32 s2, s10;
	s10 =	sand.u32 $0xFFFFF80, s31;
	[tilespmem:$0x8400] =	vst v17  }
0x78: {  	[tilespmem:s12], [sflag:$0x1] =	stream.strided.gather [hbm4b:s3+s12], $0x1000, s11, s12, $0x38;
	[tilespmem:$0x8E00] =	vst v63  }
0x79: {  	s1 =	simm.s32 $0x2;
	s3 =	sadd.s32 s24, s10  }
0x7a: {  	[tilespmem:s13], [sflag:$0x5] =	stream.strided.gather [hbm4b:s3+s12], $0x1000, s11, s12, $0x38;
	[tilespmem:$0x8E00] =	vst v63  }
0x7b: {  	s10 =	sand.u32 $0x7F, s21;
	_ =	swait.ge [sflag:s1], $0x1000  }
0x7c: {  	v17 =	vor.u32 s10, v0;
	[sflag:s1] =	ssyncset.done $0x0  }
0x7d: {  	s30 =	simm.s32 $0x6;
	v18 =	vor.u32 s10, v1;
	s10 =	sand.u32 $0x7F, s23;
	[sflag:s1] =	ssyncadd.s32 $0xFFFFF000  }
0x7e: {  	v19 =	vor.u32 s10, v0;
	_ =	swait.ge [sflag:s30], $0x1000  }
0x7f: {  	v44 =	vor.u32 s10, v1;
	[sflag:s30] =	ssyncset.done $0x0  }
0x80: {  	s21 =	simm.s32 $0x1400;
	[sflag:s30] =	ssyncadd.s32 $0xFFFFF000  }
0x81: {  	v17 =	vld.idx.msk [tilespmem:v17+s21+$0x0], $0xffff  }
0x82: {  	s23 =	simm.s32 $0x5400;
	v18 =	vld.idx.msk [tilespmem:v18+s21+$0x0], $0xffff  }
0x83: {  	v19 =	vld.idx.msk [tilespmem:v19+s23+$0x0], $0xffff  }
0x84: {  	v20 =	vld.idx.msk [tilespmem:v44+s23+$0x0], $0xffff;
	_ =	sdelay $0x4  }
0x85: {  	v17 =	vmul.f32 v19, v17;
	v18 =	vmul.f32 v20, v18;
	_ =	sdelay $0x1  }
0x86: {  	v17 =	vadd.f32 v18, v17  }
0x87: {  	s10 =	sand.u32 $0xFFFFF80, s15  }
0x88: {  	s3 =	sadd.s32 s2, s10;
	s10 =	sand.u32 $0xFFFFF80, s18;
	[tilespmem:$0x8480] =	vst v17  }
0x89: {  	[tilespmem:s21], [sflag:$0x2] =	stream.strided.gather [hbm4b:s3+s12], $0x1000, s11, s12, $0x38;
	[tilespmem:$0x8E00] =	vst v63  }
0x8a: {  	s30 =	simm.s32 $0x3;
	s3 =	sadd.s32 s24, s10  }
0x8b: {  	[tilespmem:s23], [sflag:$0x6] =	stream.strided.gather [hbm4b:s3+s12], $0x1000, s11, s12, $0x38;
	[tilespmem:$0x8E00] =	vst v63  }
0x8c: {  	s10 =	sand.u32 $0x7F, s19;
	_ =	swait.ge [sflag:s30], $0x1000  }
0x8d: {  	v17 =	vor.u32 s10, v0;
	[sflag:s30] =	ssyncset.done $0x0  }
0x8e: {  	s4 =	simm.s32 $0x7;
	v18 =	vor.u32 s10, v1;
	s10 =	sand.u32 $0x7F, s22;
	[sflag:s30] =	ssyncadd.s32 $0xFFFFF000  }
0x8f: {  	v19 =	vor.u32 s10, v0;
	_ =	swait.ge [sflag:s4], $0x1000  }
0x90: {  	v45 =	vor.u32 s10, v1;
	[sflag:s4] =	ssyncset.done $0x0  }
0x91: {  	s19 =	simm.s32 $0x2400;
	[sflag:s4] =	ssyncadd.s32 $0xFFFFF000  }
0x92: {  	v17 =	vld.idx.msk [tilespmem:v17+s19+$0x0], $0xffff  }
0x93: {  	s22 =	simm.s32 $0x6400;
	v18 =	vld.idx.msk [tilespmem:v18+s19+$0x0], $0xffff  }
0x94: {  	v19 =	vld.idx.msk [tilespmem:v19+s22+$0x0], $0xffff  }
0x95: {  	v20 =	vld.idx.msk [tilespmem:v45+s22+$0x0], $0xffff;
	_ =	sdelay $0x4  }
0x96: {  	v17 =	vmul.f32 v19, v17;
	v18 =	vmul.f32 v20, v18;
	_ =	sdelay $0x1  }
0x97: {  	v17 =	vadd.f32 v18, v17  }
0x98: {  	s10 =	sand.u32 $0xFFFFF80, s7  }
0x99: {  	s3 =	sadd.s32 s2, s10;
	s10 =	sand.u32 $0xFFFFF80, s16;
	[tilespmem:$0x8500] =	vst v17  }
0x9a: {  	[tilespmem:s19], [sflag:$0x3] =	stream.strided.gather [hbm4b:s3+s12], $0x1000, s11, s12, $0x38;
	[tilespmem:$0x8E00] =	vst v63  }
0x9b: {  	s5 =	simm.s32 $0x4;
	s3 =	sadd.s32 s24, s10  }
0x9c: {  	[tilespmem:s22], [sflag:$0x7] =	stream.strided.gather [hbm4b:s3+s12], $0x1000, s11, s12, $0x38;
	[tilespmem:$0x8E00] =	vst v63  }
0x9d: {  	s10 =	sand.u32 $0x7F, s9;
	_ =	swait.ge [sflag:s5], $0x1000  }
0x9e: {  	v17 =	vor.u32 s10, v0;
	[sflag:s5] =	ssyncset.done $0x0  }
0x9f: {  	s9 =	sand.u32 $0x7F, s20;
	s20 =	simm.s32 $0x8;
	v18 =	vor.u32 s10, v1;
	[sflag:s5] =	ssyncadd.s32 $0xFFFFF000  }
0xa0: {  	v19 =	vor.u32 s9, v0;
	_ =	swait.ge [sflag:s20], $0x1000  }
0xa1: {  	v46 =	vor.u32 s9, v1;
	[sflag:s20] =	ssyncset.done $0x0  }
0xa2: {  	s29 =	simm.s32 $0x3400;
	[sflag:s20] =	ssyncadd.s32 $0xFFFFF000  }
0xa3: {  	v17 =	vld.idx.msk [tilespmem:v17+s29+$0x0], $0xffff  }
0xa4: {  	s25 =	simm.s32 $0x7400;
	v18 =	vld.idx.msk [tilespmem:v18+s29+$0x0], $0xffff  }
0xa5: {  	v19 =	vld.idx.msk [tilespmem:v19+s25+$0x0], $0xffff  }
0xa6: {  	v20 =	vld.idx.msk [tilespmem:v46+s25+$0x0], $0xffff;
	_ =	sdelay $0x4  }
0xa7: {  	v17 =	vmul.f32 v19, v17;
	v18 =	vmul.f32 v20, v18;
	_ =	sdelay $0x1  }
0xa8: {  	s9 =	rddreg [dreg:$0x1a];
	v17 =	vadd.f32 v18, v17  }
0xa9: {  	s10 =	sand.u32 $0xFFFFF80, s9  }
0xaa: {  	s3 =	sadd.s32 s2, s10;
	s10 =	sand.u32 $0xFFFFF80, s14;
	[tilespmem:$0x8580] =	vst v17  }
0xab: {  	[tilespmem:s29], [sflag:$0x4] =	stream.strided.gather [hbm4b:s3+s12], $0x1000, s11, s12, $0x38;
	[tilespmem:$0x8E00] =	vst v63  }
0xac: {  	s3 =	sadd.s32 s24, s10  }
0xad: {  	[tilespmem:s25], [sflag:$0x8] =	stream.strided.gather [hbm4b:s3+s12], $0x1000, s11, s12, $0x38;
	[tilespmem:$0x8E00] =	vst v63  }
0xae: {  	s17 =	sand.u32 $0x7F, s17;
	_ =	swait.ge [sflag:s26], $0x1000  }
0xaf: {  	v17 =	vor.u32 s17, v0;
	[sflag:s26] =	ssyncset.done $0x0  }
0xb0: {  	s31 =	sand.u32 $0x7F, s31;
	v18 =	vor.u32 s17, v1;
	[sflag:s26] =	ssyncadd.s32 $0xFFFFF000  }
0xb1: {  	v19 =	vor.u32 s31, v0;
	_ =	swait.ge [sflag:s28], $0x1000  }
0xb2: {  	v47 =	vor.u32 s31, v1;
	[sflag:s28] =	ssyncset.done $0x0  }
0xb3: {  	[sflag:s28] =	ssyncadd.s32 $0xFFFFF000  }
0xb4: {  	v17 =	vld.idx.msk [tilespmem:v17+s12+$0x0], $0xffff  }
0xb5: {  	v18 =	vld.idx.msk [tilespmem:v18+s12+$0x0], $0xffff  }
0xb6: {  	v19 =	vld.idx.msk [tilespmem:v19+s13+$0x0], $0xffff  }
0xb7: {  	v20 =	vld.idx.msk [tilespmem:v47+s13+$0x0], $0xffff;
	_ =	sdelay $0x4  }
0xb8: {  	v17 =	vmul.f32 v19, v17;
	v18 =	vmul.f32 v20, v18;
	_ =	sdelay $0x1  }
0xb9: {  	s26 =	rddreg [dreg:$0x19];
	v17 =	vadd.f32 v18, v17  }
0xba: {  	s10 =	sand.u32 $0xFFFFF80, s26  }
0xbb: {  	s17 =	sand.u32 $0xFFFFF80, s8;
	s3 =	sadd.s32 s2, s10;
	[tilespmem:$0x8600] =	vst v17  }
0xbc: {  	[tilespmem:s12], [sflag:$0x1] =	stream.strided.gather [hbm4b:s3+s12], $0x1000, s11, s12, $0x38;
	[tilespmem:$0x8E00] =	vst v63  }
0xbd: {  	s3 =	sadd.s32 s24, s17  }
0xbe: {  	[tilespmem:s13], [sflag:$0x5] =	stream.strided.gather [hbm4b:s3+s12], $0x1000, s11, s12, $0x38;
	[tilespmem:$0x8E00] =	vst v63  }
0xbf: {  	s28 =	sand.u32 $0x7F, s15;
	_ =	swait.ge [sflag:s1], $0x1000  }
0xc0: {  	v17 =	vor.u32 s28, v0;
	[sflag:s1] =	ssyncset.done $0x0  }
0xc1: {  	s31 =	sand.u32 $0x7F, s18;
	v18 =	vor.u32 s28, v1;
	[sflag:s1] =	ssyncadd.s32 $0xFFFFF000;
	s1 =	simm.s32 $0x6  }
0xc2: {  	v19 =	vor.u32 s31, v0;
	_ =	swait.ge [sflag:s1], $0x1000  }
0xc3: {  	v48 =	vor.u32 s31, v1;
	[sflag:s1] =	ssyncset.done $0x0  }
0xc4: {  	[sflag:s1] =	ssyncadd.s32 $0xFFFFF000  }
0xc5: {  	v17 =	vld.idx.msk [tilespmem:v17+s21+$0x0], $0xffff  }
0xc6: {  	v18 =	vld.idx.msk [tilespmem:v18+s21+$0x0], $0xffff  }
0xc7: {  	v19 =	vld.idx.msk [tilespmem:v19+s23+$0x0], $0xffff  }
0xc8: {  	v20 =	vld.idx.msk [tilespmem:v48+s23+$0x0], $0xffff;
	_ =	sdelay $0x4  }
0xc9: {  	v17 =	vmul.f32 v19, v17;
	v18 =	vmul.f32 v20, v18;
	_ =	sdelay $0x1  }
0xca: {  	s17 =	rddreg [dreg:$0x17];
	v17 =	vadd.f32 v18, v17  }
0xcb: {  	s10 =	sand.u32 $0xFFFFF80, s17  }
0xcc: {  	s15 =	sand.u32 $0xFFFFF80, s6;
	s3 =	sadd.s32 s2, s10;
	[tilespmem:$0x8680] =	vst v17  }
0xcd: {  	[tilespmem:s21], [sflag:$0x2] =	stream.strided.gather [hbm4b:s3+s12], $0x1000, s11, s12, $0x38;
	[tilespmem:$0x8E00] =	vst v63  }
0xce: {  	s3 =	sadd.s32 s24, s15  }
0xcf: {  	[tilespmem:s23], [sflag:$0x6] =	stream.strided.gather [hbm4b:s3+s12], $0x1000, s11, s12, $0x38;
	[tilespmem:$0x8E00] =	vst v63  }
0xd0: {  	s18 =	sand.u32 $0x7F, s7;
	_ =	swait.ge [sflag:s30], $0x1000  }
0xd1: {  	v17 =	vor.u32 s18, v0;
	[sflag:s30] =	ssyncset.done $0x0  }
0xd2: {  	s28 =	sand.u32 $0x7F, s16;
	v18 =	vor.u32 s18, v1;
	[sflag:s30] =	ssyncadd.s32 $0xFFFFF000  }
0xd3: {  	v19 =	vor.u32 s28, v0;
	_ =	swait.ge [sflag:s4], $0x1000  }
0xd4: {  	v49 =	vor.u32 s28, v1;
	[sflag:s4] =	ssyncset.done $0x0  }
0xd5: {  	[sflag:s4] =	ssyncadd.s32 $0xFFFFF000  }
0xd6: {  	v17 =	vld.idx.msk [tilespmem:v17+s19+$0x0], $0xffff  }
0xd7: {  	v18 =	vld.idx.msk [tilespmem:v18+s19+$0x0], $0xffff  }
0xd8: {  	v19 =	vld.idx.msk [tilespmem:v19+s22+$0x0], $0xffff  }
0xd9: {  	v20 =	vld.idx.msk [tilespmem:v49+s22+$0x0], $0xffff;
	_ =	sdelay $0x4  }
0xda: {  	v17 =	vmul.f32 v19, v17;
	v18 =	vmul.f32 v20, v18;
	_ =	sdelay $0x1  }
0xdb: {  	s10 =	rddreg [dreg:$0x15];
	v17 =	vadd.f32 v18, v17  }
0xdc: {  	s18 =	rddreg [dreg:$0x18];
	s31 =	sand.u32 $0xFFFFF80, s10  }
0xdd: {  	s7 =	sand.u32 $0xFFFFF80, s18;
	s3 =	sadd.s32 s2, s31;
	[tilespmem:$0x8700] =	vst v17  }
0xde: {  	[tilespmem:s19], [sflag:$0x3] =	stream.strided.gather [hbm4b:s3+s12], $0x1000, s11, s12, $0x38;
	[tilespmem:$0x8E00] =	vst v63  }
0xdf: {  	s3 =	sadd.s32 s24, s7  }
0xe0: {  	[tilespmem:s22], [sflag:$0x7] =	stream.strided.gather [hbm4b:s3+s12], $0x1000, s11, s12, $0x38;
	[tilespmem:$0x8E00] =	vst v63  }
0xe1: {  	s15 =	sand.u32 $0x7F, s9;
	_ =	swait.ge [sflag:s5], $0x1000  }
0xe2: {  	v17 =	vor.u32 s15, v0;
	[sflag:s5] =	ssyncset.done $0x0  }
0xe3: {  	s16 =	sand.u32 $0x7F, s14;
	v18 =	vor.u32 s15, v1;
	[sflag:s5] =	ssyncadd.s32 $0xFFFFF000  }
0xe4: {  	v19 =	vor.u32 s16, v0;
	_ =	swait.ge [sflag:s20], $0x1000  }
0xe5: {  	v50 =	vor.u32 s16, v1;
	[sflag:s20] =	ssyncset.done $0x0  }
0xe6: {  	[sflag:s20] =	ssyncadd.s32 $0xFFFFF000  }
0xe7: {  	v17 =	vld.idx.msk [tilespmem:v17+s29+$0x0], $0xffff  }
0xe8: {  	v18 =	vld.idx.msk [tilespmem:v18+s29+$0x0], $0xffff  }
0xe9: {  	v19 =	vld.idx.msk [tilespmem:v19+s25+$0x0], $0xffff  }
0xea: {  	v20 =	vld.idx.msk [tilespmem:v50+s25+$0x0], $0xffff;
	_ =	sdelay $0x4  }
0xeb: {  	v17 =	vmul.f32 v19, v17;
	v18 =	vmul.f32 v20, v18;
	_ =	sdelay $0x1  }
0xec: {  	s15 =	rddreg [dreg:$0x13];
	v17 =	vadd.f32 v18, v17  }
0xed: {  	s16 =	rddreg [dreg:$0x16];
	s28 =	sand.u32 $0xFFFFF80, s15  }
0xee: {  	s31 =	sand.u32 $0xFFFFF80, s16;
	s3 =	sadd.s32 s2, s28;
	[tilespmem:$0x8780] =	vst v17  }
0xef: {  	[tilespmem:s29], [sflag:$0x4] =	stream.strided.gather [hbm4b:s3+s12], $0x1000, s11, s12, $0x38;
	[tilespmem:$0x8E00] =	vst v63  }
0xf0: {  	s7 =	simm.s32 $0x1;
	s3 =	sadd.s32 s24, s31  }
0xf1: {  	[tilespmem:s25], [sflag:$0x8] =	stream.strided.gather [hbm4b:s3+s12], $0x1000, s11, s12, $0x38;
	[tilespmem:$0x8E00] =	vst v63  }
0xf2: {  	s26 =	sand.u32 $0x7F, s26;
	_ =	swait.ge [sflag:s7], $0x1000  }
0xf3: {  	v17 =	vor.u32 s26, v0;
	[sflag:s7] =	ssyncset.done $0x0  }
0xf4: {  	s9 =	simm.s32 $0x5;
	s28 =	sand.u32 $0x7F, s8;
	v18 =	vor.u32 s26, v1;
	[sflag:s7] =	ssyncadd.s32 $0xFFFFF000  }
0xf5: {  	v19 =	vor.u32 s28, v0;
	_ =	swait.ge [sflag:s9], $0x1000  }
0xf6: {  	v51 =	vor.u32 s28, v1;
	[sflag:s9] =	ssyncset.done $0x0  }
0xf7: {  	[sflag:s9] =	ssyncadd.s32 $0xFFFFF000  }
0xf8: {  	v17 =	vld.idx.msk [tilespmem:v17+s12+$0x0], $0xffff  }
0xf9: {  	v18 =	vld.idx.msk [tilespmem:v18+s12+$0x0], $0xffff  }
0xfa: {  	v19 =	vld.idx.msk [tilespmem:v19+s13+$0x0], $0xffff  }
0xfb: {  	v20 =	vld.idx.msk [tilespmem:v51+s13+$0x0], $0xffff;
	_ =	sdelay $0x4  }
0xfc: {  	v17 =	vmul.f32 v19, v17;
	v18 =	vmul.f32 v20, v18  }
0xfd: {  	s28 =	rddreg [dreg:$0x11]  }
0xfe: {  	s29 =	sand.u32 $0xFFFFF80, s28;
	v17 =	vadd.f32 v18, v17  }
0xff: {  	s3 =	sadd.s32 s2, s29;
	s29 =	rddreg [dreg:$0x14]  }
0x100: {  	s31 =	sand.u32 $0xFFFFF80, s29;
	[tilespmem:$0x8800] =	vst v17  }
0x101: {  	[tilespmem:s12], [sflag:$0x1] =	stream.strided.gather [hbm4b:s3+s12], $0x1000, s11, s12, $0x38;
	[tilespmem:$0x8E00] =	vst v63  }
0x102: {  	s14 =	simm.s32 $0x2;
	s3 =	sadd.s32 s24, s31  }
0x103: {  	[tilespmem:s13], [sflag:$0x5] =	stream.strided.gather [hbm4b:s3+s12], $0x1000, s11, s12, $0x38;
	[tilespmem:$0x8E00] =	vst v63  }
0x104: {  	s25 =	sand.u32 $0x7F, s17;
	_ =	swait.ge [sflag:s14], $0x1000  }
0x105: {  	v17 =	vor.u32 s25, v0;
	[sflag:s14] =	ssyncset.done $0x0  }
0x106: {  	s26 =	sand.u32 $0x7F, s6;
	v18 =	vor.u32 s25, v1;
	[sflag:s14] =	ssyncadd.s32 $0xFFFFF000  }
0x107: {  	v19 =	vor.u32 s26, v0;
	_ =	swait.ge [sflag:s1], $0x1000  }
0x108: {  	v52 =	vor.u32 s26, v1;
	[sflag:s1] =	ssyncset.done $0x0  }
0x109: {  	[sflag:s1] =	ssyncadd.s32 $0xFFFFF000  }
0x10a: {  	v17 =	vld.idx.msk [tilespmem:v17+s21+$0x0], $0xffff  }
0x10b: {  	v18 =	vld.idx.msk [tilespmem:v18+s21+$0x0], $0xffff  }
0x10c: {  	v19 =	vld.idx.msk [tilespmem:v19+s23+$0x0], $0xffff  }
0x10d: {  	v20 =	vld.idx.msk [tilespmem:v52+s23+$0x0], $0xffff;
	_ =	sdelay $0x4  }
0x10e: {  	v17 =	vmul.f32 v19, v17;
	v18 =	vmul.f32 v20, v18;
	_ =	sdelay $0x1  }
0x10f: {  	s25 =	rddreg [dreg:$0x10];
	v17 =	vadd.f32 v18, v17  }
0x110: {  	s26 =	rddreg [dreg:$0x12];
	s31 =	sand.u32 $0xFFFFF80, s25  }
0x111: {  	s6 =	sand.u32 $0xFFFFF80, s26;
	s3 =	sadd.s32 s2, s31;
	[tilespmem:$0x8880] =	vst v17  }
0x112: {  	[tilespmem:s21], [sflag:$0x2] =	stream.strided.gather [hbm4b:s3+s12], $0x1000, s11, s12, $0x38;
	[tilespmem:$0x8E00] =	vst v63  }
0x113: {  	s3 =	sadd.s32 s24, s6  }
0x114: {  	[tilespmem:s23], [sflag:$0x6] =	stream.strided.gather [hbm4b:s3+s12], $0x1000, s11, s12, $0x38;
	[tilespmem:$0x8E00] =	vst v63  }
0x115: {  	s17 =	sand.u32 $0x7F, s10;
	_ =	swait.ge [sflag:s30], $0x1000  }
0x116: {  	v17 =	vor.u32 s17, v0;
	[sflag:s30] =	ssyncset.done $0x0  }
0x117: {  	s18 =	sand.u32 $0x7F, s18;
	v18 =	vor.u32 s17, v1;
	[sflag:s30] =	ssyncadd.s32 $0xFFFFF000  }
0x118: {  	v19 =	vor.u32 s18, v0;
	_ =	swait.ge [sflag:s4], $0x1000  }
0x119: {  	v53 =	vor.u32 s18, v1;
	[sflag:s4] =	ssyncset.done $0x0  }
0x11a: {  	[sflag:s4] =	ssyncadd.s32 $0xFFFFF000  }
0x11b: {  	v17 =	vld.idx.msk [tilespmem:v17+s19+$0x0], $0xffff  }
0x11c: {  	v18 =	vld.idx.msk [tilespmem:v18+s19+$0x0], $0xffff  }
0x11d: {  	v19 =	vld.idx.msk [tilespmem:v19+s22+$0x0], $0xffff  }
0x11e: {  	v20 =	vld.idx.msk [tilespmem:v53+s22+$0x0], $0xffff;
	_ =	sdelay $0x4  }
0x11f: {  	v17 =	vmul.f32 v19, v17;
	v18 =	vmul.f32 v20, v18;
	_ =	sdelay $0x1  }
0x120: {  	s17 =	rddreg [dreg:$0xe];
	v17 =	vadd.f32 v18, v17  }
0x121: {  	s18 =	rddreg [dreg:$0xf];
	s31 =	sand.u32 $0xFFFFF80, s17  }
0x122: {  	s4 =	sand.u32 $0xFFFFF80, s18;
	s3 =	sadd.s32 s2, s31;
	[tilespmem:$0x8900] =	vst v17  }
0x123: {  	[tilespmem:s19], [sflag:$0x3] =	stream.strided.gather [hbm4b:s3+s12], $0x1000, s11, s12, $0x38;
	[tilespmem:$0x8E00] =	vst v63  }
0x124: {  	s3 =	sadd.s32 s24, s4  }
0x125: {  	[tilespmem:s22], [sflag:$0x7] =	stream.strided.gather [hbm4b:s3+s12], $0x1000, s11, s12, $0x38;
	[tilespmem:$0x8E00] =	vst v63  }
0x126: {  	s6 =	sand.u32 $0x7F, s15;
	_ =	swait.ge [sflag:s5], $0x1000  }
0x127: {  	v17 =	vor.u32 s6, v0;
	[sflag:s5] =	ssyncset.done $0x0  }
0x128: {  	s15 =	sand.u32 $0x7F, s16;
	v18 =	vor.u32 s6, v1;
	[sflag:s5] =	ssyncadd.s32 $0xFFFFF000  }
0x129: {  	v19 =	vor.u32 s15, v0;
	_ =	swait.ge [sflag:s20], $0x1000  }
0x12a: {  	v54 =	vor.u32 s15, v1;
	[sflag:s20] =	ssyncset.done $0x0  }
0x12b: {  	s8 =	simm.s32 $0x3400;
	[sflag:s20] =	ssyncadd.s32 $0xFFFFF000  }
0x12c: {  	v17 =	vld.idx.msk [tilespmem:v17+s8+$0x0], $0xffff  }
0x12d: {  	s10 =	simm.s32 $0x7400;
	v18 =	vld.idx.msk [tilespmem:v18+s8+$0x0], $0xffff  }
0x12e: {  	v19 =	vld.idx.msk [tilespmem:v19+s10+$0x0], $0xffff  }
0x12f: {  	v20 =	vld.idx.msk [tilespmem:v54+s10+$0x0], $0xffff;
	_ =	sdelay $0x4  }
0x130: {  	v17 =	vmul.f32 v19, v17;
	v18 =	vmul.f32 v20, v18;
	_ =	sdelay $0x1  }
0x131: {  	s15 =	rddreg [dreg:$0xc];
	v17 =	vadd.f32 v18, v17  }
0x132: {  	s31 =	rddreg [dreg:$0xd];
	s16 =	sand.u32 $0xFFFFF80, s15  }
0x133: {  	s4 =	sand.u32 $0xFFFFF80, s31;
	s3 =	sadd.s32 s2, s16;
	[tilespmem:$0x8980] =	vst v17  }
0x134: {  	[tilespmem:s8], [sflag:$0x4] =	stream.strided.gather [hbm4b:s3+s12], $0x1000, s11, s12, $0x38;
	[tilespmem:$0x8E00] =	vst v63  }
0x135: {  	s3 =	sadd.s32 s24, s4  }
0x136: {  	[tilespmem:s10], [sflag:$0x8] =	stream.strided.gather [hbm4b:s3+s12], $0x1000, s11, s12, $0x38;
	[tilespmem:$0x8E00] =	vst v63  }
0x137: {  	s5 =	sand.u32 $0x7F, s28;
	_ =	swait.ge [sflag:s7], $0x1000  }
0x138: {  	v17 =	vor.u32 s5, v0;
	[sflag:s7] =	ssyncset.done $0x0  }
0x139: {  	s6 =	sand.u32 $0x7F, s29;
	v18 =	vor.u32 s5, v1;
	[sflag:s7] =	ssyncadd.s32 $0xFFFFF000  }
0x13a: {  	v19 =	vor.u32 s6, v0;
	_ =	swait.ge [sflag:s9], $0x1000  }
0x13b: {  	v55 =	vor.u32 s6, v1;
	[sflag:s9] =	ssyncset.done $0x0  }
0x13c: {  	[sflag:s9] =	ssyncadd.s32 $0xFFFFF000  }
0x13d: {  	v17 =	vld.idx.msk [tilespmem:v17+s12+$0x0], $0xffff  }
0x13e: {  	v18 =	vld.idx.msk [tilespmem:v18+s12+$0x0], $0xffff  }
0x13f: {  	v19 =	vld.idx.msk [tilespmem:v19+s13+$0x0], $0xffff  }
0x140: {  	v20 =	vld.idx.msk [tilespmem:v55+s13+$0x0], $0xffff;
	_ =	sdelay $0x4  }
0x141: {  	v17 =	vmul.f32 v19, v17;
	v18 =	vmul.f32 v20, v18;
	_ =	sdelay $0x1  }
0x142: {  	v17 =	vadd.f32 v18, v17  }
0x143: {  	p0 =	seq.s32 s0, $0x7C0  }
0x144: {  	s6 =	sshra.s32 @!p0 s0, $0x2;
	[tilespmem:$0x8A00] =	vst v17  }
0x145: {  	v17 =	vld @!p0 [tilespmem:s6+$0x10];
	_ =	sdelay $0x3  }
0x146: {  	v18 =	vld @!p0 [tilespmem:s6+$0x210]  }
0x147: {  	(v2sf) =	vpush @!p0 v17, $0x0;
	_ =	sdelay $0x3  }
0x148: {  	(v2sf) =	vpush @!p0 v18, $0x0;
	_ =	sdelay $0xa  }
0x149: {  	s3 =	spop @!p0 (v2sf)  }
0x14a: {  	s3 =	sand.u32 @!p0 $0xFFFFF80, s3  }
0x14b: {  	s5 =	simm.s32 @!p0 $0x400;
	s4 =	simm.s32 @!p0 $0x7A1400;
	s3 =	sadd.s32 @!p0 s2, s3  }
0x14c: {  	[tilespmem:s5], [sflag:$0x1] =	stream.strided.gather @!p0 [hbm4b:s3+s5], $0x1000, s4, s5, $0x38;
	[tilespmem:$0x8E00] =	vst v63  }
0x14d: {  	s3 =	spop @!p0 (v2sf)  }
0x14e: {  	s3 =	sand.u32 @!p0 $0xFFFFF80, s3  }
0x14f: {  	s7 =	simm.s32 @!p0 $0x4400;
	s3 =	sadd.s32 @!p0 s24, s3  }
0x150: {  	[tilespmem:s7], [sflag:$0x5] =	stream.strided.gather @!p0 [hbm4b:s3+s5], $0x1000, s4, s5, $0x38;
	[tilespmem:$0x8E00] =	vst v63  }
0x151: {  	s7 =	sand.u32 $0x7F, s25;
	_ =	swait.ge [sflag:s14], $0x1000  }
0x152: {  	v17 =	vor.u32 s7, v0;
	[sflag:s14] =	ssyncset.done $0x0  }
0x153: {  	s9 =	sand.u32 $0x7F, s26;
	v18 =	vor.u32 s7, v1;
	[sflag:s14] =	ssyncadd.s32 $0xFFFFF000  }
0x154: {  	v19 =	vor.u32 s9, v0;
	_ =	swait.ge [sflag:s1], $0x1000  }
0x155: {  	v56 =	vor.u32 s9, v1;
	[sflag:s1] =	ssyncset.done $0x0  }
0x156: {  	[sflag:s1] =	ssyncadd.s32 $0xFFFFF000  }
0x157: {  	v17 =	vld.idx.msk [tilespmem:v17+s21+$0x0], $0xffff  }
0x158: {  	v18 =	vld.idx.msk [tilespmem:v18+s21+$0x0], $0xffff  }
0x159: {  	v19 =	vld.idx.msk [tilespmem:v19+s23+$0x0], $0xffff  }
0x15a: {  	v20 =	vld.idx.msk [tilespmem:v56+s23+$0x0], $0xffff;
	_ =	sdelay $0x4  }
0x15b: {  	v17 =	vmul.f32 v19, v17;
	v18 =	vmul.f32 v20, v18;
	_ =	sdelay $0x1  }
0x15c: {  	v17 =	vadd.f32 v18, v17;
	_ =	sdelay $0x1  }
0x15d: {  	[tilespmem:$0x8A80] =	vst v17  }
0x15e: {  	v17 =	vld @!p0 [tilespmem:s6+$0x10];
	_ =	sdelay $0x3  }
0x15f: {  	v18 =	vld @!p0 [tilespmem:s6+$0x210]  }
0x160: {  	(v2sf) =	vpush @!p0 v17, $0x1;
	_ =	sdelay $0x3  }
0x161: {  	(v2sf) =	vpush @!p0 v18, $0x1;
	_ =	sdelay $0xa  }
0x162: {  	s3 =	spop @!p0 (v2sf)  }
0x163: {  	s3 =	sand.u32 @!p0 $0xFFFFF80, s3  }
0x164: {  	s7 =	simm.s32 @!p0 $0x1400;
	s3 =	sadd.s32 @!p0 s2, s3  }
0x165: {  	[tilespmem:s7], [sflag:$0x2] =	stream.strided.gather @!p0 [hbm4b:s3+s5], $0x1000, s4, s5, $0x38;
	[tilespmem:$0x8E00] =	vst v63  }
0x166: {  	s3 =	spop @!p0 (v2sf)  }
0x167: {  	s3 =	sand.u32 @!p0 $0xFFFFF80, s3  }
0x168: {  	s7 =	simm.s32 @!p0 $0x5400;
	s3 =	sadd.s32 @!p0 s24, s3  }
0x169: {  	[tilespmem:s7], [sflag:$0x6] =	stream.strided.gather @!p0 [hbm4b:s3+s5], $0x1000, s4, s5, $0x38;
	[tilespmem:$0x8E00] =	vst v63  }
0x16a: {  	s17 =	sand.u32 $0x7F, s17;
	_ =	swait.ge [sflag:s30], $0x1000  }
0x16b: {  	v17 =	vor.u32 s17, v0;
	[sflag:s30] =	ssyncset.done $0x0  }
0x16c: {  	s25 =	sand.u32 $0x7F, s18;
	s14 =	simm.s32 $0x7;
	v18 =	vor.u32 s17, v1;
	[sflag:s30] =	ssyncadd.s32 $0xFFFFF000  }
0x16d: {  	v19 =	vor.u32 s25, v0;
	_ =	swait.ge [sflag:s14], $0x1000  }
0x16e: {  	v57 =	vor.u32 s25, v1;
	[sflag:s14] =	ssyncset.done $0x0  }
0x16f: {  	[sflag:s14] =	ssyncadd.s32 $0xFFFFF000  }
0x170: {  	v17 =	vld.idx.msk [tilespmem:v17+s19+$0x0], $0xffff  }
0x171: {  	v18 =	vld.idx.msk [tilespmem:v18+s19+$0x0], $0xffff  }
0x172: {  	v19 =	vld.idx.msk [tilespmem:v19+s22+$0x0], $0xffff  }
0x173: {  	v20 =	vld.idx.msk [tilespmem:v57+s22+$0x0], $0xffff;
	_ =	sdelay $0x4  }
0x174: {  	v17 =	vmul.f32 v19, v17;
	v18 =	vmul.f32 v20, v18;
	_ =	sdelay $0x1  }
0x175: {  	v17 =	vadd.f32 v18, v17;
	_ =	sdelay $0x1  }
0x176: {  	[tilespmem:$0x8B00] =	vst v17  }
0x177: {  	v17 =	vld @!p0 [tilespmem:s6+$0x10];
	_ =	sdelay $0x3  }
0x178: {  	v18 =	vld @!p0 [tilespmem:s6+$0x210]  }
0x179: {  	(v2sf) =	vpush @!p0 v17, $0x2;
	_ =	sdelay $0x3  }
0x17a: {  	(v2sf) =	vpush @!p0 v18, $0x2;
	_ =	sdelay $0xa  }
0x17b: {  	s3 =	spop @!p0 (v2sf)  }
0x17c: {  	s3 =	sand.u32 @!p0 $0xFFFFF80, s3  }
0x17d: {  	s6 =	simm.s32 @!p0 $0x2400;
	s3 =	sadd.s32 @!p0 s2, s3  }
0x17e: {  	[tilespmem:s6], [sflag:$0x3] =	stream.strided.gather @!p0 [hbm4b:s3+s5], $0x1000, s4, s5, $0x38;
	[tilespmem:$0x8E00] =	vst v63  }
0x17f: {  	s3 =	spop @!p0 (v2sf)  }
0x180: {  	s3 =	sand.u32 @!p0 $0xFFFFF80, s3  }
0x181: {  	s26 =	simm.s32 $0x4;
	s6 =	simm.s32 @!p0 $0x6400;
	s3 =	sadd.s32 @!p0 s24, s3  }
0x182: {  	[tilespmem:s6], [sflag:$0x7] =	stream.strided.gather @!p0 [hbm4b:s3+s5], $0x1000, s4, s5, $0x38;
	[tilespmem:$0x8E00] =	vst v63  }
0x183: {  	s28 =	sand.u32 $0x7F, s15;
	_ =	swait.ge [sflag:s26], $0x1000  }
0x184: {  	v17 =	vor.u32 s28, v0;
	[sflag:s26] =	ssyncset.done $0x0  }
0x185: {  	s30 =	sand.u32 $0x7F, s31;
	v18 =	vor.u32 s28, v1;
	[sflag:s26] =	ssyncadd.s32 $0xFFFFF000  }
0x186: {  	v19 =	vor.u32 s30, v0;
	_ =	swait.ge [sflag:s20], $0x1000  }
0x187: {  	v58 =	vor.u32 s30, v1;
	[sflag:s20] =	ssyncset.done $0x0  }
0x188: {  	[sflag:s20] =	ssyncadd.s32 $0xFFFFF000  }
0x189: {  	v17 =	vld.idx.msk [tilespmem:v17+s8+$0x0], $0xffff  }
0x18a: {  	v18 =	vld.idx.msk [tilespmem:v18+s8+$0x0], $0xffff  }
0x18b: {  	v19 =	vld.idx.msk [tilespmem:v19+s10+$0x0], $0xffff  }
0x18c: {  	v20 =	vld.idx.msk [tilespmem:v58+s10+$0x0], $0xffff;
	_ =	sdelay $0x4  }
0x18d: {  	v17 =	vmul.f32 v19, v17;
	v18 =	vmul.f32 v20, v18;
	_ =	sdelay $0x1  }
0x18e: {  	v17 =	vadd.f32 v18, v17;
	_ =	sdelay $0x1  }
0x18f: {  	s29 =	simm.s32 $0x8400;
	[tilespmem:$0x8B80] =	vst v17  }
0x190: {  	v17 =	vld.idx.msk [tilespmem:v0+s29+$0x0], $0xffff  }
0x191: {  	v18 =	vld.idx.msk [tilespmem:v2+s29+$0x0], $0xffff;
	_ =	sdelay $0x1  }
0x192: {  	v19 =	vld.idx.msk [tilespmem:v3+s29+$0x0], $0xffff;
	_ =	sdelay $0x1  }
0x193: {  	v59 =	vld.idx.msk [tilespmem:v4+s29+$0x0], $0xffff  }
0x194: {  	v17 =	vadd.f32 v18, v17  }
0x195: {  	v18 =	vld.idx.msk [tilespmem:v5+s29+$0x0], $0xffff  }
0x196: {  	v17 =	vadd.f32 v19, v17  }
0x197: {  	v19 =	vld.idx.msk [tilespmem:v6+s29+$0x0], $0xffff  }
0x198: {  	v17 =	vadd.f32 v59, v17  }
0x199: {  	v60 =	vld.idx.msk [tilespmem:v7+s29+$0x0], $0xffff  }
0x19a: {  	v17 =	vadd.f32 v18, v17  }
0x19b: {  	v18 =	vld.idx.msk [tilespmem:v8+s29+$0x0], $0xffff  }
0x19c: {  	v17 =	vadd.f32 v19, v17  }
0x19d: {  	v19 =	vld.idx.msk [tilespmem:v9+s29+$0x0], $0xffff  }
0x19e: {  	v17 =	vadd.f32 v60, v17  }
0x19f: {  	v61 =	vld.idx.msk [tilespmem:v10+s29+$0x0], $0xffff  }
0x1a0: {  	v17 =	vadd.f32 v18, v17  }
0x1a1: {  	v18 =	vld.idx.msk [tilespmem:v11+s29+$0x0], $0xffff  }
0x1a2: {  	v17 =	vadd.f32 v19, v17  }
0x1a3: {  	v19 =	vld.idx.msk [tilespmem:v12+s29+$0x0], $0xffff  }
0x1a4: {  	v17 =	vadd.f32 v61, v17  }
0x1a5: {  	v62 =	vld.idx.msk [tilespmem:v13+s29+$0x0], $0xffff  }
0x1a6: {  	v17 =	vadd.f32 v18, v17  }
0x1a7: {  	v18 =	vld.idx.msk [tilespmem:v14+s29+$0x0], $0xffff  }
0x1a8: {  	v17 =	vadd.f32 v19, v17  }
0x1a9: {  	v19 =	vld.idx.msk [tilespmem:v15+s29+$0x0], $0xffff  }
0x1aa: {  	v17 =	vadd.f32 v62, v17  }
0x1ab: {  	v63 =	vld.idx.msk [tilespmem:v16+s29+$0x0], $0xffff  }
0x1ac: {  	s0 =	sadd.s32 $0x40, s0;
	v17 =	vadd.f32 v18, v17  }
0x1ad: {  	p0 =	sne.s32 s0, $0x800  }
.Ltmp0:
0x1ae: {  	v17 =	vadd.f32 v19, v17;
	(pc) =	sbr.rel @p0 .LBB2_2-.Ltmp0, $4  }
0x1af: {  	_ = 	snop  }
0x1b0: {  	v17 =	vadd.f32 v63, v17  }
0x1b1: {  	s31 =	rddreg [dreg:$0xb]  }
0x1b2: {  	[tilespmem:s31+$0x8C00] =	vst v17  }
0x1b3: {  	s9 =	simm.s32 $0x0  }
0x1b4: {  	s0 =	rddreg [dreg:$0x8];
	s1 =	simm.s32 $0x8C00;
	s3 =	simm.s32 $0x9  }
0x1b5: {  	[hbm4b:s0+s9] =	stream.linear.scatter [tilespmem:s1], [sflag:$0x9], $0x200, $0x38;
	[tilespmem:$0x8E00] =	vst v63  }
0x1b6: {  	_ =	swait.ge [sflag:s3], $0x200  }
0x1b7: {  	s30 =	rddreg [dreg:$0xa]  }
0x1b8: {  	s31 =	rddreg [dreg:$0x9];
	s1 =	sadd.s32 $0x1, s30  }
0x1b9: {  	p0 =	sne.s32 s1, s31  }
.Ltmp1:
0x1ba: {  	_ = 	snop;
	(pc) =	sbr.rel @p0 .LBB2_1-.Ltmp1, $3  }
0x1bb: {  	_ =	sdelay $0x1  }
0x1bc: {  	[sflag:s3] =	ssyncset.done $0x0  }
0x1bd: {  	[sflag:s3] =	ssyncadd.s32 $0xFFFFFE00  }
0x1be: {  	_ =	sfence.sel $0x180000  }
0x1bf: {  	[bflag:$0x0] =	sbarrier.arrive $0xFFFF  }
0x1c0: {  	_ =	strace $0x90000047  }
0x1c1: {  	s0 =	stileid.u32;
	[bflag:$0x2] =	sbarrier.arrive $0xFFFF  }
0x1c2: {  	p0 =	sne.s32 s0, $0x0;
	s0 =	rddreg [dreg:$0x5]  }
0x1c3: {  	s0 =	sadd.s32 @!p0 $0x100000, s0  }
0x1c4: {  	[sflag:s0] =	ssyncadd.tile.s32 @!p0 $0x1;
	_ =	shalt  }
.Lfunc_end2:
_tile_overlayer_lowered:
.L_overlay_start_2:
0x1c5: {  	(tag) =	ssettag $0x2  }
0x1c6: {  	s0 =	rddreg [dreg:$0x0];
	s2 =	stileid.u32  }
0x1c7: {  	s1 =	rddreg [dreg:$0x1];
	p0 =	sne.s32 s2, $0x0  }
0x1c8: {  	s3 =	rddreg [dreg:$0x2];
	[bflag:$0x3] =	sbarrier.arrive $0xFFFF;
	s2 =	simm.s32 @!p0 $0x1C09  }
0x1c9: {  	[timem:s3], [sflag:s2] =	dma.local @!p0 [hbm:s0], s1  }
0x1ca: {  	s0 =	simm.s32 @!p0 $0x9  }
0x1cb: {  	_ =	swait.ge @!p0 [sflag:s0], s1  }
0x1cc: {  	s1 =	ssub.s32 @!p0 $0x0, s1;
	[sflag:s0] =	ssyncset.done @!p0 $0x0  }
0x1cd: {  	[sflag:s0] =	ssyncadd.s32 @!p0 s1  }
0x1ce: {  	[bflag:$0x3] =	sbarrier.arrive $0xFFFF  }
0x1cf: {  	_ =	shalt  }

</sc_bundles>
